<compile_context>
chip_gen: v7x
topology: tpu7x:2x2x1
jax: 0.10.2.dev20260603
libtpu: 0.0.44.dev20260713+nightly
codegen_flags: <defaults>
</compile_context>

<pallas_src>
import functools

import jax
import jax.numpy as jnp
from jax import lax
from jax.experimental import pallas as pl
from jax.experimental.pallas import tpu as pltpu
from jax.experimental.pallas import tpu_sc as plsc

_WSIZE = 1280000
_NROW, _NCOL = 100000, 128
_N = _NROW * _NCOL
_NC, _NS = 2, 16
_NW = _NC * _NS
_PER_W = _N // _NW
_NBUF = 5
_CHUNK = 3200
_NCHUNK = _PER_W // _CHUNK
_QUADS = _NCHUNK // _NBUF


def _roast_body(w_hbm, idx_hbm, g_hbm, out_hbm, *scratch):
    idx = scratch[0:_NBUF]
    g = scratch[_NBUF:2 * _NBUF]
    val = scratch[2 * _NBUF:3 * _NBUF]
    table = scratch[3 * _NBUF]
    sin = scratch[3 * _NBUF + 1:3 * _NBUF + 1 + _NBUF]
    sg = scratch[3 * _NBUF + 1 + _NBUF:3 * _NBUF + 1 + 2 * _NBUF]
    so = scratch[3 * _NBUF + 1 + 2 * _NBUF:3 * _NBUF + 1 + 3 * _NBUF]

    cid = lax.axis_index("c")
    sid = lax.axis_index("s")
    wid = sid * _NC + cid
    w0 = wid * _PER_W

    def issue_in(k, s):
        base = w0 + k * _CHUNK
        pltpu.async_copy(idx_hbm.at[pl.ds(base, _CHUNK)], idx[s], sin[s])
        pltpu.async_copy(g_hbm.at[pl.ds(base, _CHUNK)], g[s], sin[s])

    def wait_in(k, s):
        base = w0 + k * _CHUNK
        pltpu.make_async_copy(idx_hbm.at[pl.ds(base, _CHUNK)], idx[s], sin[s]).wait()
        pltpu.make_async_copy(g_hbm.at[pl.ds(base, _CHUNK)], g[s], sin[s]).wait()

    def issue_out(k, s):
        base = w0 + k * _CHUNK
        pltpu.async_copy(val[s], out_hbm.at[pl.ds(base, _CHUNK)], so[s])

    def wait_out(k, s):
        base = w0 + k * _CHUNK
        pltpu.make_async_copy(val[s], out_hbm.at[pl.ds(base, _CHUNK)], so[s]).wait()

    def issue_gather(s):
        pltpu.async_copy(table.at[idx[s]], val[s], sg[s])

    def wait_gather(s):
        pltpu.make_async_copy(table.at[idx[s]], val[s], sg[s]).wait()

    def multiply(s):
        val_v, g_v = val[s], g[s]

        @plsc.parallel_loop(0, _CHUNK, 16, unroll=8)
        def _(i):
            sl = pl.ds(i, 16)
            val_v[sl] = val_v[sl] * g_v[sl]

    for s in range(_NBUF):
        issue_in(s, s)
    seg = _WSIZE // _NS
    pltpu.sync_copy(
        w_hbm.at[pl.ds(sid * seg, seg)], table.at[pl.ds(sid * seg, seg)]
    )
    plsc.subcore_barrier()
    wait_in(0, 0)
    issue_gather(0)
    wait_in(1, 1)
    issue_gather(1)

    def quad_body(i, carry):
        for j in range(_NBUF):
            s = j
            k = _NBUF * i + j

            wait_gather(s)

            s2 = (j + 2) % _NBUF
            if j < _NBUF - 2:
                wait_in(k + 2, s2)

                @pl.when(i > 0)
                def _():
                    wait_out(k + 2 - _NBUF, s2)

                issue_gather(s2)
            else:

                @pl.when(i < _QUADS - 1)
                def _():
                    wait_in(k + 2, s2)
                    wait_out(k + 2 - _NBUF, s2)
                    issue_gather(s2)

            multiply(s)
            issue_out(k, s)

            @pl.when(i < _QUADS - 1)
            def _():
                issue_in(k + _NBUF, s)

        return carry

    lax.fori_loop(0, _QUADS, quad_body, 0)

    for s in range(_NBUF):
        wait_out(_NCHUNK - _NBUF + s, s)


def kernel(weight, IDX, G):
    mesh = plsc.VectorSubcoreMesh(
        core_axis_name="c", subcore_axis_name="s", num_cores=_NC,
        num_subcores=_NS,
    )
    scratch = (
        [pltpu.VMEM((_CHUNK,), jnp.int32) for _ in range(_NBUF)]
        + [pltpu.VMEM((_CHUNK,), jnp.float32) for _ in range(_NBUF)]
        + [pltpu.VMEM((_CHUNK,), jnp.float32) for _ in range(_NBUF)]
        + [pltpu.VMEM_SHARED((_WSIZE,), jnp.float32)]
        + [pltpu.SemaphoreType.DMA for _ in range(3 * _NBUF)]
    )
    roast = pl.kernel(
        _roast_body,
        out_type=jax.ShapeDtypeStruct((_N,), jnp.float32),
        mesh=mesh,
        scratch_types=scratch,
    )
    out = roast(weight, IDX.reshape(-1), G.reshape(-1))
    return out.reshape(_NROW, _NCOL)

# --- scband reference (transcript-rebuilt; emitter-appended) ---
"""Pipeline reference for scband-fake-roast-22136261443760 (READ-ONLY COPY).

The authoritative reference and input builder live on the scoring server;
editing this copy changes nothing except your own understanding.
"""

import jax, jax.numpy as jnp
import numpy as np

W_SHAPE = (100000, 128)
COMPRESSION = 0.1
WSIZE = int(np.prod(W_SHAPE) * COMPRESSION)  # 1,280,000


def setup_inputs(seed: int = 0) -> dict:
    key = jax.random.key(seed)
    k1, k2, k3 = jax.random.split(key, 3)
    init_scale = 1.0 / np.sqrt(W_SHAPE[1])
    weight = jax.random.uniform(k1, (WSIZE,), minval=-init_scale, maxval=init_scale, dtype=jnp.float32)
    IDX = jax.random.randint(k2, W_SHAPE, 0, WSIZE, dtype=jnp.int32)
    G = jax.random.randint(k3, W_SHAPE, 0, 2).astype(jnp.float32) * 2.0 - 1.0
    return {"weight": weight, "IDX": IDX, "G": G}


def reference(weight, IDX, G):
    # FakeRoast.forward: W = weight[IDX] * G
    W = jnp.take(weight, IDX, axis=0) * G
    return W

if __name__ == "__main__":
    import jax
    _d = setup_inputs()
    print(jax.jit(kernel)(*tuple(_d.values())))

</pallas_src>

<mosaic_0001>
#map = affine_map<(d0, d1) -> (0)>
module attributes {stable_mosaic.version = 14 : i64} {
  func.func @_roast_body(%arg0: i32, %arg1: i32, %arg2: memref<1280000xf32, #tpu.memory_space<hbm>>, %arg3: memref<12800000xi32, #tpu.memory_space<hbm>>, %arg4: memref<12800000xf32, #tpu.memory_space<hbm>>, %arg5: memref<12800000xf32, #tpu.memory_space<hbm>>, %arg6: memref<3200xi32, #tpu.memory_space<vmem>>, %arg7: memref<3200xi32, #tpu.memory_space<vmem>>, %arg8: memref<3200xi32, #tpu.memory_space<vmem>>, %arg9: memref<3200xi32, #tpu.memory_space<vmem>>, %arg10: memref<3200xi32, #tpu.memory_space<vmem>>, %arg11: memref<3200xf32, #tpu.memory_space<vmem>>, %arg12: memref<3200xf32, #tpu.memory_space<vmem>>, %arg13: memref<3200xf32, #tpu.memory_space<vmem>>, %arg14: memref<3200xf32, #tpu.memory_space<vmem>>, %arg15: memref<3200xf32, #tpu.memory_space<vmem>>, %arg16: memref<3200xf32, #tpu.memory_space<vmem>>, %arg17: memref<3200xf32, #tpu.memory_space<vmem>>, %arg18: memref<3200xf32, #tpu.memory_space<vmem>>, %arg19: memref<3200xf32, #tpu.memory_space<vmem>>, %arg20: memref<3200xf32, #tpu.memory_space<vmem>>, %arg21: memref<1280000xf32, #tpu.memory_space<vmem_shared>>, %arg22: memref<!tpu.dma_semaphore, #tpu.memory_space<semaphore_mem>>, %arg23: memref<!tpu.dma_semaphore, #tpu.memory_space<semaphore_mem>>, %arg24: memref<!tpu.dma_semaphore, #tpu.memory_space<semaphore_mem>>, %arg25: memref<!tpu.dma_semaphore, #tpu.memory_space<semaphore_mem>>, %arg26: memref<!tpu.dma_semaphore, #tpu.memory_space<semaphore_mem>>, %arg27: memref<!tpu.dma_semaphore, #tpu.memory_space<semaphore_mem>>, %arg28: memref<!tpu.dma_semaphore, #tpu.memory_space<semaphore_mem>>, %arg29: memref<!tpu.dma_semaphore, #tpu.memory_space<semaphore_mem>>, %arg30: memref<!tpu.dma_semaphore, #tpu.memory_space<semaphore_mem>>, %arg31: memref<!tpu.dma_semaphore, #tpu.memory_space<semaphore_mem>>, %arg32: memref<!tpu.dma_semaphore, #tpu.memory_space<semaphore_mem>>, %arg33: memref<!tpu.dma_semaphore, #tpu.memory_space<semaphore_mem>>, %arg34: memref<!tpu.dma_semaphore, #tpu.memory_space<semaphore_mem>>, %arg35: memref<!tpu.dma_semaphore, #tpu.memory_space<semaphore_mem>>, %arg36: memref<!tpu.dma_semaphore, #tpu.memory_space<semaphore_mem>>) attributes {dimension_semantics = [#tpu.dimension_semantics<core_parallel>, #tpu.dimension_semantics<subcore_parallel>], iteration_bounds = array<i64: 2, 16>, scalar_prefetch = 0 : i64, scratch_operands = 31 : i64, tpu.core_type = #tpu.core_type<sc_vector_subcore>, window_params = [{transform_indices = #map}, {transform_indices = #map}, {transform_indices = #map}, {transform_indices = #map}]} {
    %mul3A = arith.constant 2 : i32
    %mul3A_0 = arith.muli %arg1, %mul3A : i32
    %add3A = arith.addi %mul3A_0, %arg0 : i32
    %mul3A_1 = arith.constant 400000 : i32
    %mul3A_2 = arith.muli %add3A, %mul3A_1 : i32
    %add3A_3 = arith.constant 0 : i32
    %add3A_4 = arith.addi %mul3A_2, %add3A_3 : i32
    %dma_start3A = tpu.memref_slice %arg3[%add3A_4] : memref<12800000xi32, #tpu.memory_space<hbm>> -> memref<3200xi32, #tpu.memory_space<hbm>>
    %dma_start3A_5 = tpu.memref_slice %arg3[%add3A_4] : memref<12800000xi32, #tpu.memory_space<hbm>> -> memref<3200xi32, #tpu.memory_space<hbm>>
    tpu.enqueue_dma source(%dma_start3A_5 : memref<3200xi32, #tpu.memory_space<hbm>>) target(%arg6 : memref<3200xi32, #tpu.memory_space<vmem>>) target_semaphore(%arg22 : memref<!tpu.dma_semaphore, #tpu.memory_space<semaphore_mem>>)
    %dma_start3A_6 = tpu.memref_slice %arg4[%add3A_4] : memref<12800000xf32, #tpu.memory_space<hbm>> -> memref<3200xf32, #tpu.memory_space<hbm>>
    %dma_start3A_7 = tpu.memref_slice %arg4[%add3A_4] : memref<12800000xf32, #tpu.memory_space<hbm>> -> memref<3200xf32, #tpu.memory_space<hbm>>
    tpu.enqueue_dma source(%dma_start3A_7 : memref<3200xf32, #tpu.memory_space<hbm>>) target(%arg11 : memref<3200xf32, #tpu.memory_space<vmem>>) target_semaphore(%arg22 : memref<!tpu.dma_semaphore, #tpu.memory_space<semaphore_mem>>)
    %add3A_8 = arith.constant 3200 : i32
    %add3A_9 = arith.addi %mul3A_2, %add3A_8 : i32
    %dma_start3A_10 = tpu.memref_slice %arg3[%add3A_9] : memref<12800000xi32, #tpu.memory_space<hbm>> -> memref<3200xi32, #tpu.memory_space<hbm>>
    %dma_start3A_11 = tpu.memref_slice %arg3[%add3A_9] : memref<12800000xi32, #tpu.memory_space<hbm>> -> memref<3200xi32, #tpu.memory_space<hbm>>
    tpu.enqueue_dma source(%dma_start3A_11 : memref<3200xi32, #tpu.memory_space<hbm>>) target(%arg7 : memref<3200xi32, #tpu.memory_space<vmem>>) target_semaphore(%arg23 : memref<!tpu.dma_semaphore, #tpu.memory_space<semaphore_mem>>)
    %dma_start3A_12 = tpu.memref_slice %arg4[%add3A_9] : memref<12800000xf32, #tpu.memory_space<hbm>> -> memref<3200xf32, #tpu.memory_space<hbm>>
    %dma_start3A_13 = tpu.memref_slice %arg4[%add3A_9] : memref<12800000xf32, #tpu.memory_space<hbm>> -> memref<3200xf32, #tpu.memory_space<hbm>>
    tpu.enqueue_dma source(%dma_start3A_13 : memref<3200xf32, #tpu.memory_space<hbm>>) target(%arg12 : memref<3200xf32, #tpu.memory_space<vmem>>) target_semaphore(%arg23 : memref<!tpu.dma_semaphore, #tpu.memory_space<semaphore_mem>>)
    %add3A_14 = arith.constant 6400 : i32
    %add3A_15 = arith.addi %mul3A_2, %add3A_14 : i32
    %dma_start3A_16 = tpu.memref_slice %arg3[%add3A_15] : memref<12800000xi32, #tpu.memory_space<hbm>> -> memref<3200xi32, #tpu.memory_space<hbm>>
    %dma_start3A_17 = tpu.memref_slice %arg3[%add3A_15] : memref<12800000xi32, #tpu.memory_space<hbm>> -> memref<3200xi32, #tpu.memory_space<hbm>>
    tpu.enqueue_dma source(%dma_start3A_17 : memref<3200xi32, #tpu.memory_space<hbm>>) target(%arg8 : memref<3200xi32, #tpu.memory_space<vmem>>) target_semaphore(%arg24 : memref<!tpu.dma_semaphore, #tpu.memory_space<semaphore_mem>>)
    %dma_start3A_18 = tpu.memref_slice %arg4[%add3A_15] : memref<12800000xf32, #tpu.memory_space<hbm>> -> memref<3200xf32, #tpu.memory_space<hbm>>
    %dma_start3A_19 = tpu.memref_slice %arg4[%add3A_15] : memref<12800000xf32, #tpu.memory_space<hbm>> -> memref<3200xf32, #tpu.memory_space<hbm>>
    tpu.enqueue_dma source(%dma_start3A_19 : memref<3200xf32, #tpu.memory_space<hbm>>) target(%arg13 : memref<3200xf32, #tpu.memory_space<vmem>>) target_semaphore(%arg24 : memref<!tpu.dma_semaphore, #tpu.memory_space<semaphore_mem>>)
    %add3A_20 = arith.constant 9600 : i32
    %add3A_21 = arith.addi %mul3A_2, %add3A_20 : i32
    %dma_start3A_22 = tpu.memref_slice %arg3[%add3A_21] : memref<12800000xi32, #tpu.memory_space<hbm>> -> memref<3200xi32, #tpu.memory_space<hbm>>
    %dma_start3A_23 = tpu.memref_slice %arg3[%add3A_21] : memref<12800000xi32, #tpu.memory_space<hbm>> -> memref<3200xi32, #tpu.memory_space<hbm>>
    tpu.enqueue_dma source(%dma_start3A_23 : memref<3200xi32, #tpu.memory_space<hbm>>) target(%arg9 : memref<3200xi32, #tpu.memory_space<vmem>>) target_semaphore(%arg25 : memref<!tpu.dma_semaphore, #tpu.memory_space<semaphore_mem>>)
    %dma_start3A_24 = tpu.memref_slice %arg4[%add3A_21] : memref<12800000xf32, #tpu.memory_space<hbm>> -> memref<3200xf32, #tpu.memory_space<hbm>>
    %dma_start3A_25 = tpu.memref_slice %arg4[%add3A_21] : memref<12800000xf32, #tpu.memory_space<hbm>> -> memref<3200xf32, #tpu.memory_space<hbm>>
    tpu.enqueue_dma source(%dma_start3A_25 : memref<3200xf32, #tpu.memory_space<hbm>>) target(%arg14 : memref<3200xf32, #tpu.memory_space<vmem>>) target_semaphore(%arg25 : memref<!tpu.dma_semaphore, #tpu.memory_space<semaphore_mem>>)
    %add3A_26 = arith.constant 12800 : i32
    %add3A_27 = arith.addi %mul3A_2, %add3A_26 : i32
    %dma_start3A_28 = tpu.memref_slice %arg3[%add3A_27] : memref<12800000xi32, #tpu.memory_space<hbm>> -> memref<3200xi32, #tpu.memory_space<hbm>>
    %dma_start3A_29 = tpu.memref_slice %arg3[%add3A_27] : memref<12800000xi32, #tpu.memory_space<hbm>> -> memref<3200xi32, #tpu.memory_space<hbm>>
    tpu.enqueue_dma source(%dma_start3A_29 : memref<3200xi32, #tpu.memory_space<hbm>>) target(%arg10 : memref<3200xi32, #tpu.memory_space<vmem>>) target_semaphore(%arg26 : memref<!tpu.dma_semaphore, #tpu.memory_space<semaphore_mem>>)
    %dma_start3A_30 = tpu.memref_slice %arg4[%add3A_27] : memref<12800000xf32, #tpu.memory_space<hbm>> -> memref<3200xf32, #tpu.memory_space<hbm>>
    %dma_start3A_31 = tpu.memref_slice %arg4[%add3A_27] : memref<12800000xf32, #tpu.memory_space<hbm>> -> memref<3200xf32, #tpu.memory_space<hbm>>
    tpu.enqueue_dma source(%dma_start3A_31 : memref<3200xf32, #tpu.memory_space<hbm>>) target(%arg15 : memref<3200xf32, #tpu.memory_space<vmem>>) target_semaphore(%arg26 : memref<!tpu.dma_semaphore, #tpu.memory_space<semaphore_mem>>)
    %mul3A_32 = arith.constant 80000 : i32
    %mul3A_33 = arith.muli %arg1, %mul3A_32 : i32
    %mul3A_34 = arith.constant 80000 : i32
    %mul3A_35 = arith.muli %arg1, %mul3A_34 : i32
    "tpu.region"() ({
      %run_scoped3A = tpu.sem_alloc : memref<!tpu.dma_semaphore, #tpu.memory_space<semaphore_mem>>
      %dma_start3A_76 = tpu.memref_slice %arg21[%mul3A_35] : memref<1280000xf32, #tpu.memory_space<vmem_shared>> -> memref<80000xf32, #tpu.memory_space<vmem_shared>>
      %dma_start3A_77 = tpu.memref_slice %arg2[%mul3A_33] : memref<1280000xf32, #tpu.memory_space<hbm>> -> memref<80000xf32, #tpu.memory_space<hbm>>
      tpu.enqueue_dma source(%dma_start3A_77 : memref<80000xf32, #tpu.memory_space<hbm>>) target(%dma_start3A_76 : memref<80000xf32, #tpu.memory_space<vmem_shared>>) target_semaphore(%run_scoped3A : memref<!tpu.dma_semaphore, #tpu.memory_space<semaphore_mem>>)
      %dma_wait3A_78 = tpu.memref_slice %arg21[%mul3A_35] : memref<1280000xf32, #tpu.memory_space<vmem_shared>> -> memref<80000xf32, #tpu.memory_space<vmem_shared>>
      %dma_wait3A_79 = tpu.memref_slice %arg2[%mul3A_33] : memref<1280000xf32, #tpu.memory_space<hbm>> -> memref<80000xf32, #tpu.memory_space<hbm>>
      tpu.wait_dma2 semaphore(%run_scoped3A : memref<!tpu.dma_semaphore, #tpu.memory_space<semaphore_mem>>) src(%dma_wait3A_79 : memref<80000xf32, #tpu.memory_space<hbm>>) dst(%dma_wait3A_78 : memref<80000xf32, #tpu.memory_space<vmem_shared>>)
      tpu.yield
    }) : () -> ()
    %barrier3A = arith.constant 0 : index
    tpu.barrier barrier_id(%barrier3A)
    %add3A_36 = arith.constant 0 : i32
    %add3A_37 = arith.addi %mul3A_2, %add3A_36 : i32
    %dma_wait3A = tpu.memref_slice %arg3[%add3A_37] : memref<12800000xi32, #tpu.memory_space<hbm>> -> memref<3200xi32, #tpu.memory_space<hbm>>
    %dma_wait3A_38 = tpu.memref_slice %arg3[%add3A_37] : memref<12800000xi32, #tpu.memory_space<hbm>> -> memref<3200xi32, #tpu.memory_space<hbm>>
    tpu.wait_dma2 semaphore(%arg22 : memref<!tpu.dma_semaphore, #tpu.memory_space<semaphore_mem>>) src(%dma_wait3A_38 : memref<3200xi32, #tpu.memory_space<hbm>>) dst(%arg6 : memref<3200xi32, #tpu.memory_space<vmem>>)
    %dma_wait3A_39 = tpu.memref_slice %arg4[%add3A_37] : memref<12800000xf32, #tpu.memory_space<hbm>> -> memref<3200xf32, #tpu.memory_space<hbm>>
    %dma_wait3A_40 = tpu.memref_slice %arg4[%add3A_37] : memref<12800000xf32, #tpu.memory_space<hbm>> -> memref<3200xf32, #tpu.memory_space<hbm>>
    tpu.wait_dma2 semaphore(%arg22 : memref<!tpu.dma_semaphore, #tpu.memory_space<semaphore_mem>>) src(%dma_wait3A_40 : memref<3200xf32, #tpu.memory_space<hbm>>) dst(%arg11 : memref<3200xf32, #tpu.memory_space<vmem>>)
    %dma_start3A_41 = arith.constant 0 : i32
    %dma_start3A_42 = tpu.memref_slice %arg21[%dma_start3A_41] : memref<1280000xf32, #tpu.memory_space<vmem_shared>> -> memref<1280000xf32, #tpu.memory_space<vmem_shared>>
    tpu.enqueue_indirect_dma source(%dma_start3A_42 : memref<1280000xf32, #tpu.memory_space<vmem_shared>>) target(%arg16 : memref<3200xf32, #tpu.memory_space<vmem>>) offsets(%arg6 : memref<3200xi32, #tpu.memory_space<vmem>>) semaphore(%arg27 : memref<!tpu.dma_semaphore, #tpu.memory_space<semaphore_mem>>)
    %add3A_43 = arith.constant 3200 : i32
    %add3A_44 = arith.addi %mul3A_2, %add3A_43 : i32
    %dma_wait3A_45 = tpu.memref_slice %arg3[%add3A_44] : memref<12800000xi32, #tpu.memory_space<hbm>> -> memref<3200xi32, #tpu.memory_space<hbm>>
    %dma_wait3A_46 = tpu.memref_slice %arg3[%add3A_44] : memref<12800000xi32, #tpu.memory_space<hbm>> -> memref<3200xi32, #tpu.memory_space<hbm>>
    tpu.wait_dma2 semaphore(%arg23 : memref<!tpu.dma_semaphore, #tpu.memory_space<semaphore_mem>>) src(%dma_wait3A_46 : memref<3200xi32, #tpu.memory_space<hbm>>) dst(%arg7 : memref<3200xi32, #tpu.memory_space<vmem>>)
    %dma_wait3A_47 = tpu.memref_slice %arg4[%add3A_44] : memref<12800000xf32, #tpu.memory_space<hbm>> -> memref<3200xf32, #tpu.memory_space<hbm>>
    %dma_wait3A_48 = tpu.memref_slice %arg4[%add3A_44] : memref<12800000xf32, #tpu.memory_space<hbm>> -> memref<3200xf32, #tpu.memory_space<hbm>>
    tpu.wait_dma2 semaphore(%arg23 : memref<!tpu.dma_semaphore, #tpu.memory_space<semaphore_mem>>) src(%dma_wait3A_48 : memref<3200xf32, #tpu.memory_space<hbm>>) dst(%arg12 : memref<3200xf32, #tpu.memory_space<vmem>>)
    %dma_start3A_49 = arith.constant 0 : i32
    %dma_start3A_50 = tpu.memref_slice %arg21[%dma_start3A_49] : memref<1280000xf32, #tpu.memory_space<vmem_shared>> -> memref<1280000xf32, #tpu.memory_space<vmem_shared>>
    tpu.enqueue_indirect_dma source(%dma_start3A_50 : memref<1280000xf32, #tpu.memory_space<vmem_shared>>) target(%arg17 : memref<3200xf32, #tpu.memory_space<vmem>>) offsets(%arg7 : memref<3200xi32, #tpu.memory_space<vmem>>) semaphore(%arg28 : memref<!tpu.dma_semaphore, #tpu.memory_space<semaphore_mem>>)
    %scan3A = arith.constant 0 : i32
    %scan3A_51 = arith.constant 0 : i32
    %scan3A_52 = arith.constant 25 : i32
    %scan3A_53 = arith.addi %scan3A_51, %scan3A_52 : i32
    %scan3A_54 = arith.constant 1 : i32
    scf.for %scan3A_76 = %scan3A_51 to %scan3A_53 step %scan3A_54  : i32 {
      %mul3A_77 = arith.constant 5 : i32
      %mul3A_78 = arith.muli %mul3A_77, %scan3A_76 : i32
      %add3A_79 = arith.constant 0 : i32
      %add3A_80 = arith.addi %mul3A_78, %add3A_79 : i32
      %dma_wait3A_81 = arith.constant 0 : i32
      %dma_wait3A_82 = tpu.memref_slice %arg21[%dma_wait3A_81] : memref<1280000xf32, #tpu.memory_space<vmem_shared>> -> memref<1280000xf32, #tpu.memory_space<vmem_shared>>
      tpu.wait_indirect_dma semaphore(%arg27 : memref<!tpu.dma_semaphore, #tpu.memory_space<semaphore_mem>>) src(%dma_wait3A_82 : memref<1280000xf32, #tpu.memory_space<vmem_shared>>) dst(%arg16 : memref<3200xf32, #tpu.memory_space<vmem>>)
      %add3A_83 = arith.constant 2 : i32
      %add3A_84 = arith.addi %add3A_80, %add3A_83 : i32
      %mul3A_85 = arith.constant 3200 : i32
      %mul3A_86 = arith.muli %add3A_84, %mul3A_85 : i32
      %add3A_87 = arith.addi %mul3A_2, %mul3A_86 : i32
      %dma_wait3A_88 = tpu.memref_slice %arg3[%add3A_87] : memref<12800000xi32, #tpu.memory_space<hbm>> -> memref<3200xi32, #tpu.memory_space<hbm>>
      %dma_wait3A_89 = tpu.memref_slice %arg3[%add3A_87] : memref<12800000xi32, #tpu.memory_space<hbm>> -> memref<3200xi32, #tpu.memory_space<hbm>>
      tpu.wait_dma2 semaphore(%arg24 : memref<!tpu.dma_semaphore, #tpu.memory_space<semaphore_mem>>) src(%dma_wait3A_89 : memref<3200xi32, #tpu.memory_space<hbm>>) dst(%arg8 : memref<3200xi32, #tpu.memory_space<vmem>>)
      %dma_wait3A_90 = tpu.memref_slice %arg4[%add3A_87] : memref<12800000xf32, #tpu.memory_space<hbm>> -> memref<3200xf32, #tpu.memory_space<hbm>>
      %dma_wait3A_91 = tpu.memref_slice %arg4[%add3A_87] : memref<12800000xf32, #tpu.memory_space<hbm>> -> memref<3200xf32, #tpu.memory_space<hbm>>
      tpu.wait_dma2 semaphore(%arg24 : memref<!tpu.dma_semaphore, #tpu.memory_space<semaphore_mem>>) src(%dma_wait3A_91 : memref<3200xf32, #tpu.memory_space<hbm>>) dst(%arg13 : memref<3200xf32, #tpu.memory_space<vmem>>)
      %gt3A = arith.constant 0 : i32
      %gt3A_92 = arith.cmpi sgt, %scan3A_76, %gt3A : i32
      %convert_element_type3A = arith.extui %gt3A_92 : i1 to i32
      %cond3A = arith.constant 0 : i32
      %cond3A_93 = arith.cmpi ne, %convert_element_type3A, %cond3A : i32
      scf.if %cond3A_93 {
        %add3A_225 = arith.constant 2 : i32
        %add3A_226 = arith.addi %add3A_80, %add3A_225 : i32
        %sub3A = arith.constant 5 : i32
        %sub3A_227 = arith.subi %add3A_226, %sub3A : i32
        %mul3A_228 = arith.constant 3200 : i32
        %mul3A_229 = arith.muli %sub3A_227, %mul3A_228 : i32
        %add3A_230 = arith.addi %mul3A_2, %mul3A_229 : i32
        %dma_wait3A_231 = tpu.memref_slice %arg5[%add3A_230] : memref<12800000xf32, #tpu.memory_space<hbm>> -> memref<3200xf32, #tpu.memory_space<hbm>>
        %dma_wait3A_232 = tpu.memref_slice %arg5[%add3A_230] : memref<12800000xf32, #tpu.memory_space<hbm>> -> memref<3200xf32, #tpu.memory_space<hbm>>
        tpu.wait_dma2 semaphore(%arg34 : memref<!tpu.dma_semaphore, #tpu.memory_space<semaphore_mem>>) src(%arg18 : memref<3200xf32, #tpu.memory_space<vmem>>) dst(%dma_wait3A_232 : memref<3200xf32, #tpu.memory_space<hbm>>)
      } else {
      }
      %dma_start3A_94 = arith.constant 0 : i32
      %dma_start3A_95 = tpu.memref_slice %arg21[%dma_start3A_94] : memref<1280000xf32, #tpu.memory_space<vmem_shared>> -> memref<1280000xf32, #tpu.memory_space<vmem_shared>>
      tpu.enqueue_indirect_dma source(%dma_start3A_95 : memref<1280000xf32, #tpu.memory_space<vmem_shared>>) target(%arg18 : memref<3200xf32, #tpu.memory_space<vmem>>) offsets(%arg8 : memref<3200xi32, #tpu.memory_space<vmem>>) semaphore(%arg29 : memref<!tpu.dma_semaphore, #tpu.memory_space<semaphore_mem>>)
      %parallel_loop3A = arith.constant 0 : i32
      %parallel_loop3A_96 = arith.constant 3200 : i32
      %parallel_loop3A_97 = arith.constant 16 : i32
      scf.for %parallel_loop3A_225 = %parallel_loop3A to %parallel_loop3A_96 step %parallel_loop3A_97  : i32 {
        %parallel_loop3A_226 = arith.index_cast %parallel_loop3A_225 : i32 to index
        %parallel_loop3A_227 = tpu.vector_load %arg16[%parallel_loop3A_226] {strides = array<i32>} : memref<3200xf32, #tpu.memory_space<vmem>>, vector<16xf32>,
        %parallel_loop3A_228 = vector.shape_cast %parallel_loop3A_227 : vector<16xf32> to vector<16xf32>
        %parallel_loop3A_229 = arith.index_cast %parallel_loop3A_225 : i32 to index
        %parallel_loop3A_230 = tpu.vector_load %arg11[%parallel_loop3A_229] {strides = array<i32>} : memref<3200xf32, #tpu.memory_space<vmem>>, vector<16xf32>,
        %parallel_loop3A_231 = vector.shape_cast %parallel_loop3A_230 : vector<16xf32> to vector<16xf32>
        %parallel_loop3A_232 = arith.mulf %parallel_loop3A_228, %parallel_loop3A_231 : vector<16xf32>
        %parallel_loop3A_233 = arith.index_cast %parallel_loop3A_225 : i32 to index
        %parallel_loop3A_234 = tpu.vector_load %arg16[%parallel_loop3A_233] {strides = array<i32>} : memref<3200xf32, #tpu.memory_space<vmem>>, vector<16xf32>,
        %parallel_loop3A_235 = vector.shape_cast %parallel_loop3A_234 : vector<16xf32> to vector<16xf32>
        %parallel_loop3A_236 = vector.shape_cast %parallel_loop3A_232 : vector<16xf32> to vector<16xf32>
        tpu.vector_store %arg16[%parallel_loop3A_233], %parallel_loop3A_236 {strides = array<i32>} : memref<3200xf32, #tpu.memory_space<vmem>>, vector<16xf32>,
      } {sc.loop_unroll_factor = 8 : i64, sc.parallel_access}
      %mul3A_98 = arith.constant 3200 : i32
      %mul3A_99 = arith.muli %add3A_80, %mul3A_98 : i32
      %add3A_100 = arith.addi %mul3A_2, %mul3A_99 : i32
      %dma_start3A_101 = tpu.memref_slice %arg5[%add3A_100] : memref<12800000xf32, #tpu.memory_space<hbm>> -> memref<3200xf32, #tpu.memory_space<hbm>>
      %dma_start3A_102 = tpu.memref_slice %arg5[%add3A_100] : memref<12800000xf32, #tpu.memory_space<hbm>> -> memref<3200xf32, #tpu.memory_space<hbm>>
      tpu.enqueue_dma source(%arg16 : memref<3200xf32, #tpu.memory_space<vmem>>) target(%dma_start3A_102 : memref<3200xf32, #tpu.memory_space<hbm>>) target_semaphore(%arg32 : memref<!tpu.dma_semaphore, #tpu.memory_space<semaphore_mem>>)
      %lt3A = arith.constant 24 : i32
      %lt3A_103 = arith.cmpi slt, %scan3A_76, %lt3A : i32
      %convert_element_type3A_104 = arith.extui %lt3A_103 : i1 to i32
      %cond3A_105 = arith.constant 0 : i32
      %cond3A_106 = arith.cmpi ne, %convert_element_type3A_104, %cond3A_105 : i32
      scf.if %cond3A_106 {
        %add3A_225 = arith.constant 5 : i32
        %add3A_226 = arith.addi %add3A_80, %add3A_225 : i32
        %mul3A_227 = arith.constant 3200 : i32
        %mul3A_228 = arith.muli %add3A_226, %mul3A_227 : i32
        %add3A_229 = arith.addi %mul3A_2, %mul3A_228 : i32
        %dma_start3A_230 = tpu.memref_slice %arg3[%add3A_229] : memref<12800000xi32, #tpu.memory_space<hbm>> -> memref<3200xi32, #tpu.memory_space<hbm>>
        %dma_start3A_231 = tpu.memref_slice %arg3[%add3A_229] : memref<12800000xi32, #tpu.memory_space<hbm>> -> memref<3200xi32, #tpu.memory_space<hbm>>
        tpu.enqueue_dma source(%dma_start3A_231 : memref<3200xi32, #tpu.memory_space<hbm>>) target(%arg6 : memref<3200xi32, #tpu.memory_space<vmem>>) target_semaphore(%arg22 : memref<!tpu.dma_semaphore, #tpu.memory_space<semaphore_mem>>)
        %dma_start3A_232 = tpu.memref_slice %arg4[%add3A_229] : memref<12800000xf32, #tpu.memory_space<hbm>> -> memref<3200xf32, #tpu.memory_space<hbm>>
        %dma_start3A_233 = tpu.memref_slice %arg4[%add3A_229] : memref<12800000xf32, #tpu.memory_space<hbm>> -> memref<3200xf32, #tpu.memory_space<hbm>>
        tpu.enqueue_dma source(%dma_start3A_233 : memref<3200xf32, #tpu.memory_space<hbm>>) target(%arg11 : memref<3200xf32, #tpu.memory_space<vmem>>) target_semaphore(%arg22 : memref<!tpu.dma_semaphore, #tpu.memory_space<semaphore_mem>>)
      } else {
      }
      %mul3A_107 = arith.constant 5 : i32
      %mul3A_108 = arith.muli %mul3A_107, %scan3A_76 : i32
      %add3A_109 = arith.constant 1 : i32
      %add3A_110 = arith.addi %mul3A_108, %add3A_109 : i32
      %dma_wait3A_111 = arith.constant 0 : i32
      %dma_wait3A_112 = tpu.memref_slice %arg21[%dma_wait3A_111] : memref<1280000xf32, #tpu.memory_space<vmem_shared>> -> memref<1280000xf32, #tpu.memory_space<vmem_shared>>
      tpu.wait_indirect_dma semaphore(%arg28 : memref<!tpu.dma_semaphore, #tpu.memory_space<semaphore_mem>>) src(%dma_wait3A_112 : memref<1280000xf32, #tpu.memory_space<vmem_shared>>) dst(%arg17 : memref<3200xf32, #tpu.memory_space<vmem>>)
      %add3A_113 = arith.constant 2 : i32
      %add3A_114 = arith.addi %add3A_110, %add3A_113 : i32
      %mul3A_115 = arith.constant 3200 : i32
      %mul3A_116 = arith.muli %add3A_114, %mul3A_115 : i32
      %add3A_117 = arith.addi %mul3A_2, %mul3A_116 : i32
      %dma_wait3A_118 = tpu.memref_slice %arg3[%add3A_117] : memref<12800000xi32, #tpu.memory_space<hbm>> -> memref<3200xi32, #tpu.memory_space<hbm>>
      %dma_wait3A_119 = tpu.memref_slice %arg3[%add3A_117] : memref<12800000xi32, #tpu.memory_space<hbm>> -> memref<3200xi32, #tpu.memory_space<hbm>>
      tpu.wait_dma2 semaphore(%arg25 : memref<!tpu.dma_semaphore, #tpu.memory_space<semaphore_mem>>) src(%dma_wait3A_119 : memref<3200xi32, #tpu.memory_space<hbm>>) dst(%arg9 : memref<3200xi32, #tpu.memory_space<vmem>>)
      %dma_wait3A_120 = tpu.memref_slice %arg4[%add3A_117] : memref<12800000xf32, #tpu.memory_space<hbm>> -> memref<3200xf32, #tpu.memory_space<hbm>>
      %dma_wait3A_121 = tpu.memref_slice %arg4[%add3A_117] : memref<12800000xf32, #tpu.memory_space<hbm>> -> memref<3200xf32, #tpu.memory_space<hbm>>
      tpu.wait_dma2 semaphore(%arg25 : memref<!tpu.dma_semaphore, #tpu.memory_space<semaphore_mem>>) src(%dma_wait3A_121 : memref<3200xf32, #tpu.memory_space<hbm>>) dst(%arg14 : memref<3200xf32, #tpu.memory_space<vmem>>)
      %gt3A_122 = arith.constant 0 : i32
      %gt3A_123 = arith.cmpi sgt, %scan3A_76, %gt3A_122 : i32
      %convert_element_type3A_124 = arith.extui %gt3A_123 : i1 to i32
      %cond3A_125 = arith.constant 0 : i32
      %cond3A_126 = arith.cmpi ne, %convert_element_type3A_124, %cond3A_125 : i32
      scf.if %cond3A_126 {
        %add3A_225 = arith.constant 2 : i32
        %add3A_226 = arith.addi %add3A_110, %add3A_225 : i32
        %sub3A = arith.constant 5 : i32
        %sub3A_227 = arith.subi %add3A_226, %sub3A : i32
        %mul3A_228 = arith.constant 3200 : i32
        %mul3A_229 = arith.muli %sub3A_227, %mul3A_228 : i32
        %add3A_230 = arith.addi %mul3A_2, %mul3A_229 : i32
        %dma_wait3A_231 = tpu.memref_slice %arg5[%add3A_230] : memref<12800000xf32, #tpu.memory_space<hbm>> -> memref<3200xf32, #tpu.memory_space<hbm>>
        %dma_wait3A_232 = tpu.memref_slice %arg5[%add3A_230] : memref<12800000xf32, #tpu.memory_space<hbm>> -> memref<3200xf32, #tpu.memory_space<hbm>>
        tpu.wait_dma2 semaphore(%arg35 : memref<!tpu.dma_semaphore, #tpu.memory_space<semaphore_mem>>) src(%arg19 : memref<3200xf32, #tpu.memory_space<vmem>>) dst(%dma_wait3A_232 : memref<3200xf32, #tpu.memory_space<hbm>>)
      } else {
      }
      %dma_start3A_127 = arith.constant 0 : i32
      %dma_start3A_128 = tpu.memref_slice %arg21[%dma_start3A_127] : memref<1280000xf32, #tpu.memory_space<vmem_shared>> -> memref<1280000xf32, #tpu.memory_space<vmem_shared>>
      tpu.enqueue_indirect_dma source(%dma_start3A_128 : memref<1280000xf32, #tpu.memory_space<vmem_shared>>) target(%arg19 : memref<3200xf32, #tpu.memory_space<vmem>>) offsets(%arg9 : memref<3200xi32, #tpu.memory_space<vmem>>) semaphore(%arg30 : memref<!tpu.dma_semaphore, #tpu.memory_space<semaphore_mem>>)
      %parallel_loop3A_129 = arith.constant 0 : i32
      %parallel_loop3A_130 = arith.constant 3200 : i32
      %parallel_loop3A_131 = arith.constant 16 : i32
      scf.for %parallel_loop3A_225 = %parallel_loop3A_129 to %parallel_loop3A_130 step %parallel_loop3A_131  : i32 {
        %parallel_loop3A_226 = arith.index_cast %parallel_loop3A_225 : i32 to index
        %parallel_loop3A_227 = tpu.vector_load %arg17[%parallel_loop3A_226] {strides = array<i32>} : memref<3200xf32, #tpu.memory_space<vmem>>, vector<16xf32>,
        %parallel_loop3A_228 = vector.shape_cast %parallel_loop3A_227 : vector<16xf32> to vector<16xf32>
        %parallel_loop3A_229 = arith.index_cast %parallel_loop3A_225 : i32 to index
        %parallel_loop3A_230 = tpu.vector_load %arg12[%parallel_loop3A_229] {strides = array<i32>} : memref<3200xf32, #tpu.memory_space<vmem>>, vector<16xf32>,
        %parallel_loop3A_231 = vector.shape_cast %parallel_loop3A_230 : vector<16xf32> to vector<16xf32>
        %parallel_loop3A_232 = arith.mulf %parallel_loop3A_228, %parallel_loop3A_231 : vector<16xf32>
        %parallel_loop3A_233 = arith.index_cast %parallel_loop3A_225 : i32 to index
        %parallel_loop3A_234 = tpu.vector_load %arg17[%parallel_loop3A_233] {strides = array<i32>} : memref<3200xf32, #tpu.memory_space<vmem>>, vector<16xf32>,
        %parallel_loop3A_235 = vector.shape_cast %parallel_loop3A_234 : vector<16xf32> to vector<16xf32>
        %parallel_loop3A_236 = vector.shape_cast %parallel_loop3A_232 : vector<16xf32> to vector<16xf32>
        tpu.vector_store %arg17[%parallel_loop3A_233], %parallel_loop3A_236 {strides = array<i32>} : memref<3200xf32, #tpu.memory_space<vmem>>, vector<16xf32>,
      } {sc.loop_unroll_factor = 8 : i64, sc.parallel_access}
      %mul3A_132 = arith.constant 3200 : i32
      %mul3A_133 = arith.muli %add3A_110, %mul3A_132 : i32
      %add3A_134 = arith.addi %mul3A_2, %mul3A_133 : i32
      %dma_start3A_135 = tpu.memref_slice %arg5[%add3A_134] : memref<12800000xf32, #tpu.memory_space<hbm>> -> memref<3200xf32, #tpu.memory_space<hbm>>
      %dma_start3A_136 = tpu.memref_slice %arg5[%add3A_134] : memref<12800000xf32, #tpu.memory_space<hbm>> -> memref<3200xf32, #tpu.memory_space<hbm>>
      tpu.enqueue_dma source(%arg17 : memref<3200xf32, #tpu.memory_space<vmem>>) target(%dma_start3A_136 : memref<3200xf32, #tpu.memory_space<hbm>>) target_semaphore(%arg33 : memref<!tpu.dma_semaphore, #tpu.memory_space<semaphore_mem>>)
      %lt3A_137 = arith.constant 24 : i32
      %lt3A_138 = arith.cmpi slt, %scan3A_76, %lt3A_137 : i32
      %convert_element_type3A_139 = arith.extui %lt3A_138 : i1 to i32
      %cond3A_140 = arith.constant 0 : i32
      %cond3A_141 = arith.cmpi ne, %convert_element_type3A_139, %cond3A_140 : i32
      scf.if %cond3A_141 {
        %add3A_225 = arith.constant 5 : i32
        %add3A_226 = arith.addi %add3A_110, %add3A_225 : i32
        %mul3A_227 = arith.constant 3200 : i32
        %mul3A_228 = arith.muli %add3A_226, %mul3A_227 : i32
        %add3A_229 = arith.addi %mul3A_2, %mul3A_228 : i32
        %dma_start3A_230 = tpu.memref_slice %arg3[%add3A_229] : memref<12800000xi32, #tpu.memory_space<hbm>> -> memref<3200xi32, #tpu.memory_space<hbm>>
        %dma_start3A_231 = tpu.memref_slice %arg3[%add3A_229] : memref<12800000xi32, #tpu.memory_space<hbm>> -> memref<3200xi32, #tpu.memory_space<hbm>>
        tpu.enqueue_dma source(%dma_start3A_231 : memref<3200xi32, #tpu.memory_space<hbm>>) target(%arg7 : memref<3200xi32, #tpu.memory_space<vmem>>) target_semaphore(%arg23 : memref<!tpu.dma_semaphore, #tpu.memory_space<semaphore_mem>>)
        %dma_start3A_232 = tpu.memref_slice %arg4[%add3A_229] : memref<12800000xf32, #tpu.memory_space<hbm>> -> memref<3200xf32, #tpu.memory_space<hbm>>
        %dma_start3A_233 = tpu.memref_slice %arg4[%add3A_229] : memref<12800000xf32, #tpu.memory_space<hbm>> -> memref<3200xf32, #tpu.memory_space<hbm>>
        tpu.enqueue_dma source(%dma_start3A_233 : memref<3200xf32, #tpu.memory_space<hbm>>) target(%arg12 : memref<3200xf32, #tpu.memory_space<vmem>>) target_semaphore(%arg23 : memref<!tpu.dma_semaphore, #tpu.memory_space<semaphore_mem>>)
      } else {
      }
      %mul3A_142 = arith.constant 5 : i32
      %mul3A_143 = arith.muli %mul3A_142, %scan3A_76 : i32
      %add3A_144 = arith.constant 2 : i32
      %add3A_145 = arith.addi %mul3A_143, %add3A_144 : i32
      %dma_wait3A_146 = arith.constant 0 : i32
      %dma_wait3A_147 = tpu.memref_slice %arg21[%dma_wait3A_146] : memref<1280000xf32, #tpu.memory_space<vmem_shared>> -> memref<1280000xf32, #tpu.memory_space<vmem_shared>>
      tpu.wait_indirect_dma semaphore(%arg29 : memref<!tpu.dma_semaphore, #tpu.memory_space<semaphore_mem>>) src(%dma_wait3A_147 : memref<1280000xf32, #tpu.memory_space<vmem_shared>>) dst(%arg18 : memref<3200xf32, #tpu.memory_space<vmem>>)
      %add3A_148 = arith.constant 2 : i32
      %add3A_149 = arith.addi %add3A_145, %add3A_148 : i32
      %mul3A_150 = arith.constant 3200 : i32
      %mul3A_151 = arith.muli %add3A_149, %mul3A_150 : i32
      %add3A_152 = arith.addi %mul3A_2, %mul3A_151 : i32
      %dma_wait3A_153 = tpu.memref_slice %arg3[%add3A_152] : memref<12800000xi32, #tpu.memory_space<hbm>> -> memref<3200xi32, #tpu.memory_space<hbm>>
      %dma_wait3A_154 = tpu.memref_slice %arg3[%add3A_152] : memref<12800000xi32, #tpu.memory_space<hbm>> -> memref<3200xi32, #tpu.memory_space<hbm>>
      tpu.wait_dma2 semaphore(%arg26 : memref<!tpu.dma_semaphore, #tpu.memory_space<semaphore_mem>>) src(%dma_wait3A_154 : memref<3200xi32, #tpu.memory_space<hbm>>) dst(%arg10 : memref<3200xi32, #tpu.memory_space<vmem>>)
      %dma_wait3A_155 = tpu.memref_slice %arg4[%add3A_152] : memref<12800000xf32, #tpu.memory_space<hbm>> -> memref<3200xf32, #tpu.memory_space<hbm>>
      %dma_wait3A_156 = tpu.memref_slice %arg4[%add3A_152] : memref<12800000xf32, #tpu.memory_space<hbm>> -> memref<3200xf32, #tpu.memory_space<hbm>>
      tpu.wait_dma2 semaphore(%arg26 : memref<!tpu.dma_semaphore, #tpu.memory_space<semaphore_mem>>) src(%dma_wait3A_156 : memref<3200xf32, #tpu.memory_space<hbm>>) dst(%arg15 : memref<3200xf32, #tpu.memory_space<vmem>>)
      %gt3A_157 = arith.constant 0 : i32
      %gt3A_158 = arith.cmpi sgt, %scan3A_76, %gt3A_157 : i32
      %convert_element_type3A_159 = arith.extui %gt3A_158 : i1 to i32
      %cond3A_160 = arith.constant 0 : i32
      %cond3A_161 = arith.cmpi ne, %convert_element_type3A_159, %cond3A_160 : i32
      scf.if %cond3A_161 {
        %add3A_225 = arith.constant 2 : i32
        %add3A_226 = arith.addi %add3A_145, %add3A_225 : i32
        %sub3A = arith.constant 5 : i32
        %sub3A_227 = arith.subi %add3A_226, %sub3A : i32
        %mul3A_228 = arith.constant 3200 : i32
        %mul3A_229 = arith.muli %sub3A_227, %mul3A_228 : i32
        %add3A_230 = arith.addi %mul3A_2, %mul3A_229 : i32
        %dma_wait3A_231 = tpu.memref_slice %arg5[%add3A_230] : memref<12800000xf32, #tpu.memory_space<hbm>> -> memref<3200xf32, #tpu.memory_space<hbm>>
        %dma_wait3A_232 = tpu.memref_slice %arg5[%add3A_230] : memref<12800000xf32, #tpu.memory_space<hbm>> -> memref<3200xf32, #tpu.memory_space<hbm>>
        tpu.wait_dma2 semaphore(%arg36 : memref<!tpu.dma_semaphore, #tpu.memory_space<semaphore_mem>>) src(%arg20 : memref<3200xf32, #tpu.memory_space<vmem>>) dst(%dma_wait3A_232 : memref<3200xf32, #tpu.memory_space<hbm>>)
      } else {
      }
      %dma_start3A_162 = arith.constant 0 : i32
      %dma_start3A_163 = tpu.memref_slice %arg21[%dma_start3A_162] : memref<1280000xf32, #tpu.memory_space<vmem_shared>> -> memref<1280000xf32, #tpu.memory_space<vmem_shared>>
      tpu.enqueue_indirect_dma source(%dma_start3A_163 : memref<1280000xf32, #tpu.memory_space<vmem_shared>>) target(%arg20 : memref<3200xf32, #tpu.memory_space<vmem>>) offsets(%arg10 : memref<3200xi32, #tpu.memory_space<vmem>>) semaphore(%arg31 : memref<!tpu.dma_semaphore, #tpu.memory_space<semaphore_mem>>)
      %parallel_loop3A_164 = arith.constant 0 : i32
      %parallel_loop3A_165 = arith.constant 3200 : i32
      %parallel_loop3A_166 = arith.constant 16 : i32
      scf.for %parallel_loop3A_225 = %parallel_loop3A_164 to %parallel_loop3A_165 step %parallel_loop3A_166  : i32 {
        %parallel_loop3A_226 = arith.index_cast %parallel_loop3A_225 : i32 to index
        %parallel_loop3A_227 = tpu.vector_load %arg18[%parallel_loop3A_226] {strides = array<i32>} : memref<3200xf32, #tpu.memory_space<vmem>>, vector<16xf32>,
        %parallel_loop3A_228 = vector.shape_cast %parallel_loop3A_227 : vector<16xf32> to vector<16xf32>
        %parallel_loop3A_229 = arith.index_cast %parallel_loop3A_225 : i32 to index
        %parallel_loop3A_230 = tpu.vector_load %arg13[%parallel_loop3A_229] {strides = array<i32>} : memref<3200xf32, #tpu.memory_space<vmem>>, vector<16xf32>,
        %parallel_loop3A_231 = vector.shape_cast %parallel_loop3A_230 : vector<16xf32> to vector<16xf32>
        %parallel_loop3A_232 = arith.mulf %parallel_loop3A_228, %parallel_loop3A_231 : vector<16xf32>
        %parallel_loop3A_233 = arith.index_cast %parallel_loop3A_225 : i32 to index
        %parallel_loop3A_234 = tpu.vector_load %arg18[%parallel_loop3A_233] {strides = array<i32>} : memref<3200xf32, #tpu.memory_space<vmem>>, vector<16xf32>,
        %parallel_loop3A_235 = vector.shape_cast %parallel_loop3A_234 : vector<16xf32> to vector<16xf32>
        %parallel_loop3A_236 = vector.shape_cast %parallel_loop3A_232 : vector<16xf32> to vector<16xf32>
        tpu.vector_store %arg18[%parallel_loop3A_233], %parallel_loop3A_236 {strides = array<i32>} : memref<3200xf32, #tpu.memory_space<vmem>>, vector<16xf32>,
      } {sc.loop_unroll_factor = 8 : i64, sc.parallel_access}
      %mul3A_167 = arith.constant 3200 : i32
      %mul3A_168 = arith.muli %add3A_145, %mul3A_167 : i32
      %add3A_169 = arith.addi %mul3A_2, %mul3A_168 : i32
      %dma_start3A_170 = tpu.memref_slice %arg5[%add3A_169] : memref<12800000xf32, #tpu.memory_space<hbm>> -> memref<3200xf32, #tpu.memory_space<hbm>>
      %dma_start3A_171 = tpu.memref_slice %arg5[%add3A_169] : memref<12800000xf32, #tpu.memory_space<hbm>> -> memref<3200xf32, #tpu.memory_space<hbm>>
      tpu.enqueue_dma source(%arg18 : memref<3200xf32, #tpu.memory_space<vmem>>) target(%dma_start3A_171 : memref<3200xf32, #tpu.memory_space<hbm>>) target_semaphore(%arg34 : memref<!tpu.dma_semaphore, #tpu.memory_space<semaphore_mem>>)
      %lt3A_172 = arith.constant 24 : i32
      %lt3A_173 = arith.cmpi slt, %scan3A_76, %lt3A_172 : i32
      %convert_element_type3A_174 = arith.extui %lt3A_173 : i1 to i32
      %cond3A_175 = arith.constant 0 : i32
      %cond3A_176 = arith.cmpi ne, %convert_element_type3A_174, %cond3A_175 : i32
      scf.if %cond3A_176 {
        %add3A_225 = arith.constant 5 : i32
        %add3A_226 = arith.addi %add3A_145, %add3A_225 : i32
        %mul3A_227 = arith.constant 3200 : i32
        %mul3A_228 = arith.muli %add3A_226, %mul3A_227 : i32
        %add3A_229 = arith.addi %mul3A_2, %mul3A_228 : i32
        %dma_start3A_230 = tpu.memref_slice %arg3[%add3A_229] : memref<12800000xi32, #tpu.memory_space<hbm>> -> memref<3200xi32, #tpu.memory_space<hbm>>
        %dma_start3A_231 = tpu.memref_slice %arg3[%add3A_229] : memref<12800000xi32, #tpu.memory_space<hbm>> -> memref<3200xi32, #tpu.memory_space<hbm>>
        tpu.enqueue_dma source(%dma_start3A_231 : memref<3200xi32, #tpu.memory_space<hbm>>) target(%arg8 : memref<3200xi32, #tpu.memory_space<vmem>>) target_semaphore(%arg24 : memref<!tpu.dma_semaphore, #tpu.memory_space<semaphore_mem>>)
        %dma_start3A_232 = tpu.memref_slice %arg4[%add3A_229] : memref<12800000xf32, #tpu.memory_space<hbm>> -> memref<3200xf32, #tpu.memory_space<hbm>>
        %dma_start3A_233 = tpu.memref_slice %arg4[%add3A_229] : memref<12800000xf32, #tpu.memory_space<hbm>> -> memref<3200xf32, #tpu.memory_space<hbm>>
        tpu.enqueue_dma source(%dma_start3A_233 : memref<3200xf32, #tpu.memory_space<hbm>>) target(%arg13 : memref<3200xf32, #tpu.memory_space<vmem>>) target_semaphore(%arg24 : memref<!tpu.dma_semaphore, #tpu.memory_space<semaphore_mem>>)
      } else {
      }
      %mul3A_177 = arith.constant 5 : i32
      %mul3A_178 = arith.muli %mul3A_177, %scan3A_76 : i32
      %add3A_179 = arith.constant 3 : i32
      %add3A_180 = arith.addi %mul3A_178, %add3A_179 : i32
      %dma_wait3A_181 = arith.constant 0 : i32
      %dma_wait3A_182 = tpu.memref_slice %arg21[%dma_wait3A_181] : memref<1280000xf32, #tpu.memory_space<vmem_shared>> -> memref<1280000xf32, #tpu.memory_space<vmem_shared>>
      tpu.wait_indirect_dma semaphore(%arg30 : memref<!tpu.dma_semaphore, #tpu.memory_space<semaphore_mem>>) src(%dma_wait3A_182 : memref<1280000xf32, #tpu.memory_space<vmem_shared>>) dst(%arg19 : memref<3200xf32, #tpu.memory_space<vmem>>)
      %lt3A_183 = arith.constant 24 : i32
      %lt3A_184 = arith.cmpi slt, %scan3A_76, %lt3A_183 : i32
      %convert_element_type3A_185 = arith.extui %lt3A_184 : i1 to i32
      %cond3A_186 = arith.constant 0 : i32
      %cond3A_187 = arith.cmpi ne, %convert_element_type3A_185, %cond3A_186 : i32
      scf.if %cond3A_187 {
        %add3A_225 = arith.constant 2 : i32
        %add3A_226 = arith.addi %add3A_180, %add3A_225 : i32
        %mul3A_227 = arith.constant 3200 : i32
        %mul3A_228 = arith.muli %add3A_226, %mul3A_227 : i32
        %add3A_229 = arith.addi %mul3A_2, %mul3A_228 : i32
        %dma_wait3A_230 = tpu.memref_slice %arg3[%add3A_229] : memref<12800000xi32, #tpu.memory_space<hbm>> -> memref<3200xi32, #tpu.memory_space<hbm>>
        %dma_wait3A_231 = tpu.memref_slice %arg3[%add3A_229] : memref<12800000xi32, #tpu.memory_space<hbm>> -> memref<3200xi32, #tpu.memory_space<hbm>>
        tpu.wait_dma2 semaphore(%arg22 : memref<!tpu.dma_semaphore, #tpu.memory_space<semaphore_mem>>) src(%dma_wait3A_231 : memref<3200xi32, #tpu.memory_space<hbm>>) dst(%arg6 : memref<3200xi32, #tpu.memory_space<vmem>>)
        %dma_wait3A_232 = tpu.memref_slice %arg4[%add3A_229] : memref<12800000xf32, #tpu.memory_space<hbm>> -> memref<3200xf32, #tpu.memory_space<hbm>>
        %dma_wait3A_233 = tpu.memref_slice %arg4[%add3A_229] : memref<12800000xf32, #tpu.memory_space<hbm>> -> memref<3200xf32, #tpu.memory_space<hbm>>
        tpu.wait_dma2 semaphore(%arg22 : memref<!tpu.dma_semaphore, #tpu.memory_space<semaphore_mem>>) src(%dma_wait3A_233 : memref<3200xf32, #tpu.memory_space<hbm>>) dst(%arg11 : memref<3200xf32, #tpu.memory_space<vmem>>)
        %add3A_234 = arith.constant 2 : i32
        %add3A_235 = arith.addi %add3A_180, %add3A_234 : i32
        %sub3A = arith.constant 5 : i32
        %sub3A_236 = arith.subi %add3A_235, %sub3A : i32
        %mul3A_237 = arith.constant 3200 : i32
        %mul3A_238 = arith.muli %sub3A_236, %mul3A_237 : i32
        %add3A_239 = arith.addi %mul3A_2, %mul3A_238 : i32
        %dma_wait3A_240 = tpu.memref_slice %arg5[%add3A_239] : memref<12800000xf32, #tpu.memory_space<hbm>> -> memref<3200xf32, #tpu.memory_space<hbm>>
        %dma_wait3A_241 = tpu.memref_slice %arg5[%add3A_239] : memref<12800000xf32, #tpu.memory_space<hbm>> -> memref<3200xf32, #tpu.memory_space<hbm>>
        tpu.wait_dma2 semaphore(%arg32 : memref<!tpu.dma_semaphore, #tpu.memory_space<semaphore_mem>>) src(%arg16 : memref<3200xf32, #tpu.memory_space<vmem>>) dst(%dma_wait3A_241 : memref<3200xf32, #tpu.memory_space<hbm>>)
        %dma_start3A_242 = arith.constant 0 : i32
        %dma_start3A_243 = tpu.memref_slice %arg21[%dma_start3A_242] : memref<1280000xf32, #tpu.memory_space<vmem_shared>> -> memref<1280000xf32, #tpu.memory_space<vmem_shared>>
        tpu.enqueue_indirect_dma source(%dma_start3A_243 : memref<1280000xf32, #tpu.memory_space<vmem_shared>>) target(%arg16 : memref<3200xf32, #tpu.memory_space<vmem>>) offsets(%arg6 : memref<3200xi32, #tpu.memory_space<vmem>>) semaphore(%arg27 : memref<!tpu.dma_semaphore, #tpu.memory_space<semaphore_mem>>)
      } else {
      }
      %parallel_loop3A_188 = arith.constant 0 : i32
      %parallel_loop3A_189 = arith.constant 3200 : i32
      %parallel_loop3A_190 = arith.constant 16 : i32
      scf.for %parallel_loop3A_225 = %parallel_loop3A_188 to %parallel_loop3A_189 step %parallel_loop3A_190  : i32 {
        %parallel_loop3A_226 = arith.index_cast %parallel_loop3A_225 : i32 to index
        %parallel_loop3A_227 = tpu.vector_load %arg19[%parallel_loop3A_226] {strides = array<i32>} : memref<3200xf32, #tpu.memory_space<vmem>>, vector<16xf32>,
        %parallel_loop3A_228 = vector.shape_cast %parallel_loop3A_227 : vector<16xf32> to vector<16xf32>
        %parallel_loop3A_229 = arith.index_cast %parallel_loop3A_225 : i32 to index
        %parallel_loop3A_230 = tpu.vector_load %arg14[%parallel_loop3A_229] {strides = array<i32>} : memref<3200xf32, #tpu.memory_space<vmem>>, vector<16xf32>,
        %parallel_loop3A_231 = vector.shape_cast %parallel_loop3A_230 : vector<16xf32> to vector<16xf32>
        %parallel_loop3A_232 = arith.mulf %parallel_loop3A_228, %parallel_loop3A_231 : vector<16xf32>
        %parallel_loop3A_233 = arith.index_cast %parallel_loop3A_225 : i32 to index
        %parallel_loop3A_234 = tpu.vector_load %arg19[%parallel_loop3A_233] {strides = array<i32>} : memref<3200xf32, #tpu.memory_space<vmem>>, vector<16xf32>,
        %parallel_loop3A_235 = vector.shape_cast %parallel_loop3A_234 : vector<16xf32> to vector<16xf32>
        %parallel_loop3A_236 = vector.shape_cast %parallel_loop3A_232 : vector<16xf32> to vector<16xf32>
        tpu.vector_store %arg19[%parallel_loop3A_233], %parallel_loop3A_236 {strides = array<i32>} : memref<3200xf32, #tpu.memory_space<vmem>>, vector<16xf32>,
      } {sc.loop_unroll_factor = 8 : i64, sc.parallel_access}
      %mul3A_191 = arith.constant 3200 : i32
      %mul3A_192 = arith.muli %add3A_180, %mul3A_191 : i32
      %add3A_193 = arith.addi %mul3A_2, %mul3A_192 : i32
      %dma_start3A_194 = tpu.memref_slice %arg5[%add3A_193] : memref<12800000xf32, #tpu.memory_space<hbm>> -> memref<3200xf32, #tpu.memory_space<hbm>>
      %dma_start3A_195 = tpu.memref_slice %arg5[%add3A_193] : memref<12800000xf32, #tpu.memory_space<hbm>> -> memref<3200xf32, #tpu.memory_space<hbm>>
      tpu.enqueue_dma source(%arg19 : memref<3200xf32, #tpu.memory_space<vmem>>) target(%dma_start3A_195 : memref<3200xf32, #tpu.memory_space<hbm>>) target_semaphore(%arg35 : memref<!tpu.dma_semaphore, #tpu.memory_space<semaphore_mem>>)
      %lt3A_196 = arith.constant 24 : i32
      %lt3A_197 = arith.cmpi slt, %scan3A_76, %lt3A_196 : i32
      %convert_element_type3A_198 = arith.extui %lt3A_197 : i1 to i32
      %cond3A_199 = arith.constant 0 : i32
      %cond3A_200 = arith.cmpi ne, %convert_element_type3A_198, %cond3A_199 : i32
      scf.if %cond3A_200 {
        %add3A_225 = arith.constant 5 : i32
        %add3A_226 = arith.addi %add3A_180, %add3A_225 : i32
        %mul3A_227 = arith.constant 3200 : i32
        %mul3A_228 = arith.muli %add3A_226, %mul3A_227 : i32
        %add3A_229 = arith.addi %mul3A_2, %mul3A_228 : i32
        %dma_start3A_230 = tpu.memref_slice %arg3[%add3A_229] : memref<12800000xi32, #tpu.memory_space<hbm>> -> memref<3200xi32, #tpu.memory_space<hbm>>
        %dma_start3A_231 = tpu.memref_slice %arg3[%add3A_229] : memref<12800000xi32, #tpu.memory_space<hbm>> -> memref<3200xi32, #tpu.memory_space<hbm>>
        tpu.enqueue_dma source(%dma_start3A_231 : memref<3200xi32, #tpu.memory_space<hbm>>) target(%arg9 : memref<3200xi32, #tpu.memory_space<vmem>>) target_semaphore(%arg25 : memref<!tpu.dma_semaphore, #tpu.memory_space<semaphore_mem>>)
        %dma_start3A_232 = tpu.memref_slice %arg4[%add3A_229] : memref<12800000xf32, #tpu.memory_space<hbm>> -> memref<3200xf32, #tpu.memory_space<hbm>>
        %dma_start3A_233 = tpu.memref_slice %arg4[%add3A_229] : memref<12800000xf32, #tpu.memory_space<hbm>> -> memref<3200xf32, #tpu.memory_space<hbm>>
        tpu.enqueue_dma source(%dma_start3A_233 : memref<3200xf32, #tpu.memory_space<hbm>>) target(%arg14 : memref<3200xf32, #tpu.memory_space<vmem>>) target_semaphore(%arg25 : memref<!tpu.dma_semaphore, #tpu.memory_space<semaphore_mem>>)
      } else {
      }
      %mul3A_201 = arith.constant 5 : i32
      %mul3A_202 = arith.muli %mul3A_201, %scan3A_76 : i32
      %add3A_203 = arith.constant 4 : i32
      %add3A_204 = arith.addi %mul3A_202, %add3A_203 : i32
      %dma_wait3A_205 = arith.constant 0 : i32
      %dma_wait3A_206 = tpu.memref_slice %arg21[%dma_wait3A_205] : memref<1280000xf32, #tpu.memory_space<vmem_shared>> -> memref<1280000xf32, #tpu.memory_space<vmem_shared>>
      tpu.wait_indirect_dma semaphore(%arg31 : memref<!tpu.dma_semaphore, #tpu.memory_space<semaphore_mem>>) src(%dma_wait3A_206 : memref<1280000xf32, #tpu.memory_space<vmem_shared>>) dst(%arg20 : memref<3200xf32, #tpu.memory_space<vmem>>)
      %lt3A_207 = arith.constant 24 : i32
      %lt3A_208 = arith.cmpi slt, %scan3A_76, %lt3A_207 : i32
      %convert_element_type3A_209 = arith.extui %lt3A_208 : i1 to i32
      %cond3A_210 = arith.constant 0 : i32
      %cond3A_211 = arith.cmpi ne, %convert_element_type3A_209, %cond3A_210 : i32
      scf.if %cond3A_211 {
        %add3A_225 = arith.constant 2 : i32
        %add3A_226 = arith.addi %add3A_204, %add3A_225 : i32
        %mul3A_227 = arith.constant 3200 : i32
        %mul3A_228 = arith.muli %add3A_226, %mul3A_227 : i32
        %add3A_229 = arith.addi %mul3A_2, %mul3A_228 : i32
        %dma_wait3A_230 = tpu.memref_slice %arg3[%add3A_229] : memref<12800000xi32, #tpu.memory_space<hbm>> -> memref<3200xi32, #tpu.memory_space<hbm>>
        %dma_wait3A_231 = tpu.memref_slice %arg3[%add3A_229] : memref<12800000xi32, #tpu.memory_space<hbm>> -> memref<3200xi32, #tpu.memory_space<hbm>>
        tpu.wait_dma2 semaphore(%arg23 : memref<!tpu.dma_semaphore, #tpu.memory_space<semaphore_mem>>) src(%dma_wait3A_231 : memref<3200xi32, #tpu.memory_space<hbm>>) dst(%arg7 : memref<3200xi32, #tpu.memory_space<vmem>>)
        %dma_wait3A_232 = tpu.memref_slice %arg4[%add3A_229] : memref<12800000xf32, #tpu.memory_space<hbm>> -> memref<3200xf32, #tpu.memory_space<hbm>>
        %dma_wait3A_233 = tpu.memref_slice %arg4[%add3A_229] : memref<12800000xf32, #tpu.memory_space<hbm>> -> memref<3200xf32, #tpu.memory_space<hbm>>
        tpu.wait_dma2 semaphore(%arg23 : memref<!tpu.dma_semaphore, #tpu.memory_space<semaphore_mem>>) src(%dma_wait3A_233 : memref<3200xf32, #tpu.memory_space<hbm>>) dst(%arg12 : memref<3200xf32, #tpu.memory_space<vmem>>)
        %add3A_234 = arith.constant 2 : i32
        %add3A_235 = arith.addi %add3A_204, %add3A_234 : i32
        %sub3A = arith.constant 5 : i32
        %sub3A_236 = arith.subi %add3A_235, %sub3A : i32
        %mul3A_237 = arith.constant 3200 : i32
        %mul3A_238 = arith.muli %sub3A_236, %mul3A_237 : i32
        %add3A_239 = arith.addi %mul3A_2, %mul3A_238 : i32
        %dma_wait3A_240 = tpu.memref_slice %arg5[%add3A_239] : memref<12800000xf32, #tpu.memory_space<hbm>> -> memref<3200xf32, #tpu.memory_space<hbm>>
        %dma_wait3A_241 = tpu.memref_slice %arg5[%add3A_239] : memref<12800000xf32, #tpu.memory_space<hbm>> -> memref<3200xf32, #tpu.memory_space<hbm>>
        tpu.wait_dma2 semaphore(%arg33 : memref<!tpu.dma_semaphore, #tpu.memory_space<semaphore_mem>>) src(%arg17 : memref<3200xf32, #tpu.memory_space<vmem>>) dst(%dma_wait3A_241 : memref<3200xf32, #tpu.memory_space<hbm>>)
        %dma_start3A_242 = arith.constant 0 : i32
        %dma_start3A_243 = tpu.memref_slice %arg21[%dma_start3A_242] : memref<1280000xf32, #tpu.memory_space<vmem_shared>> -> memref<1280000xf32, #tpu.memory_space<vmem_shared>>
        tpu.enqueue_indirect_dma source(%dma_start3A_243 : memref<1280000xf32, #tpu.memory_space<vmem_shared>>) target(%arg17 : memref<3200xf32, #tpu.memory_space<vmem>>) offsets(%arg7 : memref<3200xi32, #tpu.memory_space<vmem>>) semaphore(%arg28 : memref<!tpu.dma_semaphore, #tpu.memory_space<semaphore_mem>>)
      } else {
      }
      %parallel_loop3A_212 = arith.constant 0 : i32
      %parallel_loop3A_213 = arith.constant 3200 : i32
      %parallel_loop3A_214 = arith.constant 16 : i32
      scf.for %parallel_loop3A_225 = %parallel_loop3A_212 to %parallel_loop3A_213 step %parallel_loop3A_214  : i32 {
        %parallel_loop3A_226 = arith.index_cast %parallel_loop3A_225 : i32 to index
        %parallel_loop3A_227 = tpu.vector_load %arg20[%parallel_loop3A_226] {strides = array<i32>} : memref<3200xf32, #tpu.memory_space<vmem>>, vector<16xf32>,
        %parallel_loop3A_228 = vector.shape_cast %parallel_loop3A_227 : vector<16xf32> to vector<16xf32>
        %parallel_loop3A_229 = arith.index_cast %parallel_loop3A_225 : i32 to index
        %parallel_loop3A_230 = tpu.vector_load %arg15[%parallel_loop3A_229] {strides = array<i32>} : memref<3200xf32, #tpu.memory_space<vmem>>, vector<16xf32>,
        %parallel_loop3A_231 = vector.shape_cast %parallel_loop3A_230 : vector<16xf32> to vector<16xf32>
        %parallel_loop3A_232 = arith.mulf %parallel_loop3A_228, %parallel_loop3A_231 : vector<16xf32>
        %parallel_loop3A_233 = arith.index_cast %parallel_loop3A_225 : i32 to index
        %parallel_loop3A_234 = tpu.vector_load %arg20[%parallel_loop3A_233] {strides = array<i32>} : memref<3200xf32, #tpu.memory_space<vmem>>, vector<16xf32>,
        %parallel_loop3A_235 = vector.shape_cast %parallel_loop3A_234 : vector<16xf32> to vector<16xf32>
        %parallel_loop3A_236 = vector.shape_cast %parallel_loop3A_232 : vector<16xf32> to vector<16xf32>
        tpu.vector_store %arg20[%parallel_loop3A_233], %parallel_loop3A_236 {strides = array<i32>} : memref<3200xf32, #tpu.memory_space<vmem>>, vector<16xf32>,
      } {sc.loop_unroll_factor = 8 : i64, sc.parallel_access}
      %mul3A_215 = arith.constant 3200 : i32
      %mul3A_216 = arith.muli %add3A_204, %mul3A_215 : i32
      %add3A_217 = arith.addi %mul3A_2, %mul3A_216 : i32
      %dma_start3A_218 = tpu.memref_slice %arg5[%add3A_217] : memref<12800000xf32, #tpu.memory_space<hbm>> -> memref<3200xf32, #tpu.memory_space<hbm>>
      %dma_start3A_219 = tpu.memref_slice %arg5[%add3A_217] : memref<12800000xf32, #tpu.memory_space<hbm>> -> memref<3200xf32, #tpu.memory_space<hbm>>
      tpu.enqueue_dma source(%arg20 : memref<3200xf32, #tpu.memory_space<vmem>>) target(%dma_start3A_219 : memref<3200xf32, #tpu.memory_space<hbm>>) target_semaphore(%arg36 : memref<!tpu.dma_semaphore, #tpu.memory_space<semaphore_mem>>)
      %lt3A_220 = arith.constant 24 : i32
      %lt3A_221 = arith.cmpi slt, %scan3A_76, %lt3A_220 : i32
      %convert_element_type3A_222 = arith.extui %lt3A_221 : i1 to i32
      %cond3A_223 = arith.constant 0 : i32
      %cond3A_224 = arith.cmpi ne, %convert_element_type3A_222, %cond3A_223 : i32
      scf.if %cond3A_224 {
        %add3A_225 = arith.constant 5 : i32
        %add3A_226 = arith.addi %add3A_204, %add3A_225 : i32
        %mul3A_227 = arith.constant 3200 : i32
        %mul3A_228 = arith.muli %add3A_226, %mul3A_227 : i32
        %add3A_229 = arith.addi %mul3A_2, %mul3A_228 : i32
        %dma_start3A_230 = tpu.memref_slice %arg3[%add3A_229] : memref<12800000xi32, #tpu.memory_space<hbm>> -> memref<3200xi32, #tpu.memory_space<hbm>>
        %dma_start3A_231 = tpu.memref_slice %arg3[%add3A_229] : memref<12800000xi32, #tpu.memory_space<hbm>> -> memref<3200xi32, #tpu.memory_space<hbm>>
        tpu.enqueue_dma source(%dma_start3A_231 : memref<3200xi32, #tpu.memory_space<hbm>>) target(%arg10 : memref<3200xi32, #tpu.memory_space<vmem>>) target_semaphore(%arg26 : memref<!tpu.dma_semaphore, #tpu.memory_space<semaphore_mem>>)
        %dma_start3A_232 = tpu.memref_slice %arg4[%add3A_229] : memref<12800000xf32, #tpu.memory_space<hbm>> -> memref<3200xf32, #tpu.memory_space<hbm>>
        %dma_start3A_233 = tpu.memref_slice %arg4[%add3A_229] : memref<12800000xf32, #tpu.memory_space<hbm>> -> memref<3200xf32, #tpu.memory_space<hbm>>
        tpu.enqueue_dma source(%dma_start3A_233 : memref<3200xf32, #tpu.memory_space<hbm>>) target(%arg15 : memref<3200xf32, #tpu.memory_space<vmem>>) target_semaphore(%arg26 : memref<!tpu.dma_semaphore, #tpu.memory_space<semaphore_mem>>)
      } else {
      }
    }
    %scan3A_55 = arith.constant 25 : i32
    %add3A_56 = arith.constant 384000 : i32
    %add3A_57 = arith.addi %mul3A_2, %add3A_56 : i32
    %dma_wait3A_58 = tpu.memref_slice %arg5[%add3A_57] : memref<12800000xf32, #tpu.memory_space<hbm>> -> memref<3200xf32, #tpu.memory_space<hbm>>
    %dma_wait3A_59 = tpu.memref_slice %arg5[%add3A_57] : memref<12800000xf32, #tpu.memory_space<hbm>> -> memref<3200xf32, #tpu.memory_space<hbm>>
    tpu.wait_dma2 semaphore(%arg32 : memref<!tpu.dma_semaphore, #tpu.memory_space<semaphore_mem>>) src(%arg16 : memref<3200xf32, #tpu.memory_space<vmem>>) dst(%dma_wait3A_59 : memref<3200xf32, #tpu.memory_space<hbm>>)
    %add3A_60 = arith.constant 387200 : i32
    %add3A_61 = arith.addi %mul3A_2, %add3A_60 : i32
    %dma_wait3A_62 = tpu.memref_slice %arg5[%add3A_61] : memref<12800000xf32, #tpu.memory_space<hbm>> -> memref<3200xf32, #tpu.memory_space<hbm>>
    %dma_wait3A_63 = tpu.memref_slice %arg5[%add3A_61] : memref<12800000xf32, #tpu.memory_space<hbm>> -> memref<3200xf32, #tpu.memory_space<hbm>>
    tpu.wait_dma2 semaphore(%arg33 : memref<!tpu.dma_semaphore, #tpu.memory_space<semaphore_mem>>) src(%arg17 : memref<3200xf32, #tpu.memory_space<vmem>>) dst(%dma_wait3A_63 : memref<3200xf32, #tpu.memory_space<hbm>>)
    %add3A_64 = arith.constant 390400 : i32
    %add3A_65 = arith.addi %mul3A_2, %add3A_64 : i32
    %dma_wait3A_66 = tpu.memref_slice %arg5[%add3A_65] : memref<12800000xf32, #tpu.memory_space<hbm>> -> memref<3200xf32, #tpu.memory_space<hbm>>
    %dma_wait3A_67 = tpu.memref_slice %arg5[%add3A_65] : memref<12800000xf32, #tpu.memory_space<hbm>> -> memref<3200xf32, #tpu.memory_space<hbm>>
    tpu.wait_dma2 semaphore(%arg34 : memref<!tpu.dma_semaphore, #tpu.memory_space<semaphore_mem>>) src(%arg18 : memref<3200xf32, #tpu.memory_space<vmem>>) dst(%dma_wait3A_67 : memref<3200xf32, #tpu.memory_space<hbm>>)
    %add3A_68 = arith.constant 393600 : i32
    %add3A_69 = arith.addi %mul3A_2, %add3A_68 : i32
    %dma_wait3A_70 = tpu.memref_slice %arg5[%add3A_69] : memref<12800000xf32, #tpu.memory_space<hbm>> -> memref<3200xf32, #tpu.memory_space<hbm>>
    %dma_wait3A_71 = tpu.memref_slice %arg5[%add3A_69] : memref<12800000xf32, #tpu.memory_space<hbm>> -> memref<3200xf32, #tpu.memory_space<hbm>>
    tpu.wait_dma2 semaphore(%arg35 : memref<!tpu.dma_semaphore, #tpu.memory_space<semaphore_mem>>) src(%arg19 : memref<3200xf32, #tpu.memory_space<vmem>>) dst(%dma_wait3A_71 : memref<3200xf32, #tpu.memory_space<hbm>>)
    %add3A_72 = arith.constant 396800 : i32
    %add3A_73 = arith.addi %mul3A_2, %add3A_72 : i32
    %dma_wait3A_74 = tpu.memref_slice %arg5[%add3A_73] : memref<12800000xf32, #tpu.memory_space<hbm>> -> memref<3200xf32, #tpu.memory_space<hbm>>
    %dma_wait3A_75 = tpu.memref_slice %arg5[%add3A_73] : memref<12800000xf32, #tpu.memory_space<hbm>> -> memref<3200xf32, #tpu.memory_space<hbm>>
    tpu.wait_dma2 semaphore(%arg36 : memref<!tpu.dma_semaphore, #tpu.memory_space<semaphore_mem>>) src(%arg20 : memref<3200xf32, #tpu.memory_space<vmem>>) dst(%dma_wait3A_75 : memref<3200xf32, #tpu.memory_space<hbm>>)
    return
  }
}

</mosaic_0001>

<sc_bundles>
// kernel: kernel.3.cloned.1.call-start
scs
__scs_entry_jumppad:
0x0: {  	(pc) =	sbr.rel $0x88, $3  }
0x1: {  	(tag) =	ssettag $0x0;
	lr =	simm.s32 $0x1  }
0x2: {  	[smem:$0x3F9E] =	sst lr;
	_ =	strace $0xD0000000  }
0x3: {  	_ = 	snop  }
0x4: {  	_ = 	snop  }
0x5: {  	_ = 	snop  }
0x6: {  	_ = 	snop  }
0x7: {  	_ = 	snop  }
__scs_overlays_trampoline_lowered:
0x8: {  	[smem:$0x3FAD] =	sst s0  }
0x9: {  	[smem:$0x3FAE] =	sst s1  }
0xa: {  	[smem:$0x3FAF] =	sst s2  }
0xb: {  	[smem:$0x3FB0] =	sst s3  }
0xc: {  	[smem:$0x3FB1] =	sst s4  }
0xd: {  	[smem:$0x3FB2] =	sst s5  }
0xe: {  	[smem:$0x3FB3] =	sst s6  }
0xf: {  	[smem:$0x3FB4] =	sst s7  }
0x10: {  	[smem:$0x3FB5] =	sst s8  }
0x11: {  	[smem:$0x3FB6] =	sst s9;
	s0 =	simm.s32 @!p0 $0x0  }
0x12: {  	s1 =	sld [smem:$0x3F9C];
	s0 =	simm.s32 @p0 $0x1  }
0x13: {  	[smem:$0x3FB7] =	sst s0;
	s0 =	simm.s32 @!p1 $0x0  }
0x14: {  	s2 =	sld [smem:$0x3F9B];
	s0 =	simm.s32 @p1 $0x1  }
0x15: {  	[smem:$0x3FB8] =	sst s0;
	s0 =	simm.s32 @!p2 $0x0  }
0x16: {  	s3 =	sld [smem:$0x3FDB];
	s0 =	simm.s32 @p2 $0x1  }
0x17: {  	s4 =	simm.s32 $0x1BF5;
	[smem:$0x3FBA] =	sst s0  }
0x18: {  	s0 =	sld [smem:$0x3F9D];
	_ =	swait.ge [sflag:s4], $0x0  }
0x19: {  	s7 =	sld [smem:$0x3F9E]  }
0x1a: {  	s8 =	sadd.s32 $0xFFFFE003, lr  }
0x1b: {  	s9 =	sadd.s32 $0xFFFFFEF7, lr;
	s5 =	simm.s32 $0xFFFFFFFF;
	p2 =	slt.u32 s8, $0xFFFFF086  }
0x1c: {  	p1 =	slt.u32 s9, $0xF7A;
	s5 =	simm.s32 @!p2 $0x0  }
0x1d: {  	s5 =	simm.s32 @p1 $0x1;
	p0 =	seq.s32 s7, s2  }
0x1e: {  	s7 =	smul.u32 @!p0 $0xF7A, s2;
	p2 =	seq.s32 @!p0 s5, $0x0  }
0x1f: {  	s9 =	smul.u32 $0xF7A, s1;
	s8 =	simm.s32 @!p0 $0x1BF5;
	p2 =	por !p2, p0  }
0x20: {  	[sflag:s8] =	ssyncset.s32 @!p0 $0xFFFFF086;
	s6 =	sadd.s32 @!p0 s3, s7;
	s7 =	simm.s32 @!p0 $0x108  }
0x21: {  	s3 =	sadd.s32 s3, s9;
	s6 =	sadd.s32 @!p0 $0x88, s6;
	s7 =	simm.s32 @p2 $0x1082  }
0x22: {  	[simem:s7], [sflag:s8] =	dma.local @!p0 [hbm:s6], $0xF7A  }
0x23: {  	s9 =	sor.u32 $0xD0000000, s2;
	s6 =	simm.s32 $0x108;
	_ =	swait.ge @!p0 [sflag:s8], $0x0  }
0x24: {  	s3 =	sadd.s32 $0x88, s3;
	s6 =	simm.s32 @!p1 $0x1082;
	[sflag:s4] =	ssyncset.s32 $0xFFFFF086  }
0x25: {  	[simem:s6], [sflag:s4] =	dma.local [hbm:s3], $0xF7A  }
0x26: {  	[smem:$0x3F9E] =	sst s1;
	(tag) =	ssettag s2;
	_ =	strace s9  }
0x27: {  	s1 =	sld [smem:$0x3FAE]  }
0x28: {  	s2 =	sld [smem:$0x3FAF]  }
0x29: {  	s4 =	sld [smem:$0x3FB1]  }
0x2a: {  	p0 =	seq.s32 s5, $0x0;
	s5 =	sld [smem:$0x3FB2]  }
0x2b: {  	s6 =	sld [smem:$0x3FB3]  }
0x2c: {  	s7 =	sld [smem:$0x3FB4]  }
0x2d: {  	s3 =	simm.s32 $0x108;
	s8 =	sld [smem:$0x3FB5]  }
0x2e: {  	s3 =	simm.s32 @!p0 $0x1082;
	s9 =	sld [smem:$0x3FB6]  }
0x2f: {  	lr =	sadd.s32 s0, s3;
	s0 =	sld [smem:$0x3FAD]  }
0x30: {  	s3 =	sld [smem:$0x3FB0]  }
0x31: {  	[smem:$0x3FB9] =	sst s10  }
0x32: {  	s10 =	sld [smem:$0x3FB7];
	_ =	sdelay $0x3  }
0x33: {  	p0 =	seq.s32 s10, $0x1;
	s10 =	sld [smem:$0x3FB9];
	_ =	sdelay $0x3  }
0x34: {  	[smem:$0x3FB9] =	sst s10  }
0x35: {  	s10 =	sld [smem:$0x3FB8];
	_ =	sdelay $0x3  }
0x36: {  	p1 =	seq.s32 s10, $0x1;
	s10 =	sld [smem:$0x3FB9];
	_ =	sdelay $0x3  }
0x37: {  	[smem:$0x3FB9] =	sst s10  }
0x38: {  	s10 =	sld [smem:$0x3FBA]  }
0x39: {  	_ = 	snop;
	(pc) =	sbr.ind lr, $3  }
0x3a: {  	_ = 	snop  }
0x3b: {  	_ = 	snop  }
0x3c: {  	p2 =	seq.s32 s10, $0x1;
	s10 =	sld [smem:$0x3FB9]  }
0x3d: {  	_ =	shalt  }
0x3e: {  	_ =	shalt  }
0x3f: {  	_ =	shalt  }
0x40: {  	_ =	shalt  }
0x41: {  	_ =	shalt  }
0x42: {  	_ =	shalt  }
0x43: {  	_ =	shalt  }
0x44: {  	_ =	shalt  }
0x45: {  	_ =	shalt  }
0x46: {  	_ =	shalt  }
0x47: {  	_ =	shalt  }
0x48: {  	_ =	shalt  }
0x49: {  	_ =	shalt  }
0x4a: {  	_ =	shalt  }
0x4b: {  	_ =	shalt  }
0x4c: {  	_ =	shalt  }
0x4d: {  	_ =	shalt  }
0x4e: {  	_ =	shalt  }
0x4f: {  	_ =	shalt  }
0x50: {  	_ =	shalt  }
0x51: {  	_ =	shalt  }
0x52: {  	_ =	shalt  }
0x53: {  	_ =	shalt  }
0x54: {  	_ =	shalt  }
0x55: {  	_ =	shalt  }
0x56: {  	_ =	shalt  }
0x57: {  	_ =	shalt  }
0x58: {  	_ =	shalt  }
0x59: {  	_ =	shalt  }
0x5a: {  	_ =	shalt  }
0x5b: {  	_ =	shalt  }
0x5c: {  	_ =	shalt  }
0x5d: {  	_ =	shalt  }
0x5e: {  	_ =	shalt  }
0x5f: {  	_ =	shalt  }
0x60: {  	_ =	shalt  }
0x61: {  	_ =	shalt  }
0x62: {  	_ =	shalt  }
0x63: {  	_ =	shalt  }
0x64: {  	_ =	shalt  }
0x65: {  	_ =	shalt  }
0x66: {  	_ =	shalt  }
0x67: {  	_ =	shalt  }
0x68: {  	_ =	shalt  }
0x69: {  	_ =	shalt  }
0x6a: {  	_ =	shalt  }
0x6b: {  	_ =	shalt  }
0x6c: {  	_ =	shalt  }
0x6d: {  	_ =	shalt  }
0x6e: {  	_ =	shalt  }
0x6f: {  	_ =	shalt  }
0x70: {  	_ =	shalt  }
0x71: {  	_ =	shalt  }
0x72: {  	_ =	shalt  }
0x73: {  	_ =	shalt  }
0x74: {  	_ =	shalt  }
0x75: {  	_ =	shalt  }
0x76: {  	_ =	shalt  }
0x77: {  	_ =	shalt  }
0x78: {  	_ =	shalt  }
0x79: {  	_ =	shalt  }
0x7a: {  	_ =	shalt  }
0x7b: {  	_ =	shalt  }
0x7c: {  	_ =	shalt  }
0x7d: {  	_ =	shalt  }
0x7e: {  	_ =	shalt  }
0x7f: {  	_ =	shalt  }
0x80: {  	_ =	shalt  }
0x81: {  	_ =	shalt  }
0x82: {  	_ =	shalt  }
0x83: {  	_ =	shalt  }
0x84: {  	_ =	shalt  }
0x85: {  	_ =	shalt  }
0x86: {  	_ =	shalt  }
0x87: {  	_ =	shalt  }
.Lfunc_end0:
.L_simem_size_0:
called_computation_lowered:
.L_overlay_start_0:
0x88: {  	s2 =	sld [smem:$0x3FD9]  }
0x89: {  	s3 =	sld [smem:$0x3FFE];
	_ =	sdelay $0x1  }
0x8a: {  	s1 =	srdreg.scid  }
0x8b: {  	s0 =	sand.u32 $0x1, s1  }
0x8c: {  	s18 =	sshll.u32 s0, $0xA;
	s2 =	sadd.s32 s3, s2  }
0x8d: {  	s2 =	sadd.s32 s2, s18  }
0x8e: {  	[smem:$0x3FC5] =	sst s2  }
0x8f: {  	_ = 	snop  }
0x90: {  	s2 =	sld [smem:$0x3FC9]  }
0x91: {  	s19 =	sld [smem:$0x3FC8]  }
0x92: {  	s4 =	sld [smem:$0x3FC7]  }
0x93: {  	s5 =	sld [smem:$0x3FD0];
	(tm) =	ssettm $0x1  }
0x94: {  	s6 =	sld [smem:$0x3FFB];
	_ =	sdelay $0x3  }
0x95: {  	_ =	strace s6  }
0x96: {  	s6 =	sld [smem:$0x3FFC];
	_ =	sdelay $0x3  }
0x97: {  	_ =	strace s6  }
0x98: {  	s6 =	sld [smem:$0x3FFD];
	_ =	sdelay $0x3  }
0x99: {  	_ =	strace s6  }
0x9a: {  	_ =	strace $0x8FFFFFFF  }
0x9b: {  	s20 =	sld [smem:$0x3FDB];
	_ =	sdelay $0x1  }
0x9c: {  	s7 =	simm.s32 $_scs_section_size  }
0x9d: {  	s8 =	simm.s32 $_size__tile_overlayer_lowered;
	s9 =	simm.s32 $_tile_overlayer_lowered  }
0x9e: {  	s23 =	simm.s32 $0x1BFF;
	s22 =	sshll.u32 s9, $0x1;
	s6 =	sadd.s32 s7, s20  }
0x9f: {  	s10 =	simm.s32 $0x0;
	s21 =	sshll.u32 s8, $0x1;
	s8 =	sadd.s32 s22, s6  }
0xa0: {  	[timem:s10], [sflag:s23] =	dma.local [hbm:s8], s21  }
0xa1: {  	_ =	swait.ge [sflag:s23], s21  }
0xa2: {  	s7 =	ssub.s32 $0x0, s21;
	[sflag:s23] =	ssyncset.done $0x0  }
0xa3: {  	[sflag:s23] =	ssyncadd.s32 s7;
	_ =	sdelay $0x1  }
0xa4: {  	s24 =	simm.s32 $0x1B8B  }
0xa5: {  	_ =	swait.ge [sflag:s24], $0x1  }
0xa6: {  	[sflag:s24] =	ssyncset.done $0x0  }
0xa7: {  	s25 =	simm.s32 $0x1B8E;
	[sflag:s24] =	ssyncadd.s32 $0xFFFFFFFF  }
0xa8: {  	s26 =	simm.s32 $execute0_lowered;
	[smem:$0x3FD2] =	sst s25  }
0xa9: {  	s7 =	sshll.u32 s26, $0x1;
	_ =	strace $0x80000046;
	[dreg:$0x1] =	wrdreg $0xFFFFFFFF  }
0xaa: {  	s28 =	simm.s32 $_size_execute0_lowered;
	s6 =	sadd.s32 s6, s7;
	[dreg:$0x0] =	wrdreg $0x0  }
0xab: {  	s7 =	sshll.u32 s28, $0x1;
	[dreg:$0x2] =	wrdreg s6  }
0xac: {  	[dreg:$0x3] =	wrdreg s7  }
0xad: {  	[dreg:$0x4] =	wrdreg $0xC0  }
0xae: {  	_ =	task [dreg:s10], $0x5FFFF  }
0xaf: {  	[dreg:$0x1] =	wrdreg $0xFFFFFFFF  }
0xb0: {  	[dreg:$0x0] =	wrdreg $0x60  }
0xb1: {  	[dreg:$0x2] =	wrdreg s2  }
0xb2: {  	[dreg:$0x3] =	wrdreg s19  }
0xb3: {  	[dreg:$0x4] =	wrdreg s4  }
0xb4: {  	[dreg:$0x5] =	wrdreg s5  }
0xb5: {  	[dreg:$0x6] =	wrdreg $0xBB800  }
0xb6: {  	[dreg:$0x7] =	wrdreg $0x9  }
0xb7: {  	_ =	task.clear_ibuf [dreg:s10], $0x8FFFF;
	_ =	strace $0x90000046  }
0xb8: {  	s29 =	simm.s32 $0x9;
	_ =	strace $0x80000048  }
0xb9: {  	_ =	swait.ge [sflag:s29], $0x1  }
0xba: {  	[sflag:s29] =	ssyncadd.s32 $0xFFFFFFFF  }
0xbb: {  	_ =	strace $0x90000048  }
0xbc: {  	_ =	sfence  }
0xbd: {  	s30 =	sld [smem:$0x0];
	_ =	sdelay $0x2  }
0xbe: {  	s31 =	sshll.u32 s1, $0xD;
	s1 =	sshrl.u32 s1, $0x2  }
0xbf: {  	s3 =	sand.u32 $0x4000, s31;
	s1 =	sadd.s32 s1, s30  }
0xc0: {  	s0 =	sor.u32 s3, s0;
	s1 =	sshll.u32 s1, $0x11  }
0xc1: {  	s0 =	sor.u32 s1, s0  }
0xc2: {  	s0 =	sadd.s32 $0x8F2B, s0  }
0xc3: {  	[sflag:s0] =	ssyncadd.remote.s32 $0x1  }
0xc4: {  	_ =	sfence.sel $0xFFFF  }
0xc5: {  	[dreg:$0x0] =	wrdreg $0xFFFFFFFF;
	(pc) =	sbr.abs _section_cstart, $3  }
0xc6: {  	[dreg:$0x1] =	wrdreg $0xFFFFFFFF  }
0xc7: {  	_ =	task.clear_ibuf [dreg:s10], $0x2FFFF;
	_ =	strace $0x9FFFFFFF  }
0xc8: {  	(tm) =	ssettm $0x7FFFFFFF  }
0xc9: {  	_ =	shalt  }
tec
execute0_lowered:
.L_overlay_start_1:
0x0: {  	(tag) =	ssettag $0x1  }
0x1: {  	s0 =	rddreg [dreg:$0x0]  }
0x2: {  	s1 =	rddreg [dreg:$0x1]  }
0x3: {  	s2 =	rddreg [dreg:$0x2]  }
0x4: {  	s4 =	rddreg [dreg:$0x3];
	s3 =	srdreg.scid  }
0x5: {  	s10 =	stileid.u32;
	s5 =	rddreg [dreg:$0x4]  }
0x6: {  	s6 =	simm.s32 $0x0;
	s3 =	sand.u32 $0x1, s3;
	s7 =	sshll.u32 s10, $0x1  }
0x7: {  	[smem:$0x7FF] =	sst s6;
	s19 =	smul.u32 $0x13880, s10;
	s23 =	sshll.u32 s10, $0x6  }
0x8: {  	s10 =	simm.s32 $0x3200;
	s7 =	sor.u32 s3, s7;
	s3 =	ssub.s32 $0x2, s3  }
0x9: {  	_ =	strace $0x80000047;
	s11 =	smul.u32 $0x61A80, s7;
	s31 =	sshrl.u32 s3, $0x1  }
0xa: {  	s22 =	sshrl.u32 s19, $0x3;
	s24 =	sadd.s32 s19, s5;
	s3 =	ssub.s32 s3, s31  }
0xb: {  	s0 =	sadd.s32 s0, s22;
	s26 =	sshrl.u32 s24, $0x3;
	s22 =	simm.s32 $0x9600  }
0xc: {  	s24 =	simm.s32 $0x4;
	s8 =	sshrl.u32 s11, $0x3;
	s9 =	sadd.s32 $0xC80, s11  }
0xd: {  	s15 =	sadd.s32 $0x1900, s11;
	s17 =	sadd.s32 $0x2580, s11;
	[dreg:$0x12] =	wrdreg s0  }
0xe: {  	s21 =	sadd.s32 $0x3200, s11;
	s0 =	sor.u32 $0x1C10, s23;
	[dreg:$0x16] =	wrdreg s26  }
0xf: {  	s25 =	smax.u32 s3, $0x1;
	s26 =	sadd.s32 $0x3E80, s11;
	[dreg:$0x6] =	wrdreg s9  }
0x10: {  	s28 =	sadd.s32 $0x4B00, s11;
	s29 =	sadd.s32 $0x5780, s11;
	[dreg:$0xa] =	wrdreg s15  }
0x11: {  	s30 =	sadd.s32 $0x6400, s11;
	s31 =	sadd.s32 $0x7080, s11;
	[dreg:$0xf] =	wrdreg s17  }
0x12: {  	s23 =	simm.s32 $0x7;
	s12 =	sadd.s32 s1, s8;
	[dreg:$0x14] =	wrdreg s0  }
0x13: {  	s13 =	sshrl.u32 s9, $0x3;
	s8 =	sadd.s32 s2, s8;
	[dreg:$0x15] =	wrdreg s25  }
0x14: {  	s16 =	sshrl.u32 s15, $0x3;
	[dreg:$0x17] =	wrdreg s31;
	s0 =	simm.s32 $0xC80  }
0x15: {  	s25 =	simm.s32 $0xA280;
	s15 =	simm.s32 $0x5;
	[dreg:$0x7] =	wrdreg s12  }
0x16: {  	[dreg:$0x8] =	wrdreg s8;
	s14 =	sadd.s32 s1, s13;
	s7 =	sadd.s32 s2, s13  }
0x17: {  	s18 =	sadd.s32 s1, s16;
	s8 =	sshrl.u32 s17, $0x3;
	[dreg:$0x9] =	wrdreg s14  }
0x18: {  	s13 =	simm.s32 $0x8;
	s17 =	simm.s32 $0xAF00;
	[dreg:$0xb] =	wrdreg s7  }
0x19: {  	[dreg:$0xc] =	wrdreg s18;
	s7 =	sadd.s32 s2, s16;
	s20 =	sadd.s32 s1, s8  }
.Ltmp0:
0x1a: {  	s8 =	sadd.s32 s2, s8;
	[dreg:$0xd] =	wrdreg s7;
	(pc) =	sbr.rel .LBB2_1-.Ltmp0, $4  }
0x1b: {  	s18 =	smov.u32 s21;
	[dreg:$0xe] =	wrdreg s20;
	s7 =	sshrl.u32 s21, $0x3  }
0x1c: {  	s14 =	smov.u32 s11;
	[dreg:$0x10] =	wrdreg s8;
	s12 =	sadd.s32 s1, s7  }
0x1d: {  	s20 =	simm.s32 $0x6;
	s7 =	sadd.s32 s2, s7;
	[dreg:$0x11] =	wrdreg s12  }
0x1e: {  	s21 =	simm.s32 $0x3;
	s8 =	simm.s32 $0x0;
	[dreg:$0x13] =	wrdreg s7  }
.LBB2_14:
0x1f: {  	s3 =	simm.s32 $0xB  }
0x20: {  	_ =	swait.ge [sflag:s3], $0xC80  }
0x21: {  	[sflag:s3] =	ssyncset.done $0x0  }
0x22: {  	s12 =	simm.s32 $0xC;
	[sflag:s3] =	ssyncadd.s32 $0xFFFFF380  }
0x23: {  	_ =	swait.ge [sflag:s12], $0xC80  }
0x24: {  	[sflag:s12] =	ssyncset.done $0x0  }
0x25: {  	s16 =	simm.s32 $0xD;
	[sflag:s12] =	ssyncadd.s32 $0xFFFFF380  }
0x26: {  	_ =	swait.ge [sflag:s16], $0xC80  }
0x27: {  	[sflag:s16] =	ssyncset.done $0x0  }
0x28: {  	s19 =	simm.s32 $0xE;
	[sflag:s16] =	ssyncadd.s32 $0xFFFFF380  }
0x29: {  	_ =	swait.ge [sflag:s19], $0xC80  }
0x2a: {  	[sflag:s19] =	ssyncset.done $0x0  }
0x2b: {  	s7 =	simm.s32 $0xF;
	[sflag:s19] =	ssyncadd.s32 $0xFFFFF380  }
0x2c: {  	_ =	swait.ge [sflag:s7], $0xC80  }
0x2d: {  	s8 =	rddreg [dreg:$0x18]  }
0x2e: {  	s31 =	rddreg [dreg:$0x15];
	s8 =	sadd.s32 $0x1, s8  }
0x2f: {  	p0 =	sne.s32 s8, s31  }
.Ltmp1:
0x30: {  	_ = 	snop;
	(pc) =	sbr.rel @!p0 .LBB2_15-.Ltmp1, $3  }
0x31: {  	_ =	sdelay $0x1  }
0x32: {  	[sflag:s7] =	ssyncset.done $0x0  }
0x33: {  	[sflag:s7] =	ssyncadd.s32 $0xFFFFF380  }
.LBB2_1:
0x34: {  	[dreg:$0x18] =	wrdreg s8  }
0x35: {  	s3 =	rddreg [dreg:$0x7]  }
0x36: {  	s31 =	rddreg [dreg:$0x8]  }
0x37: {  	s8 =	rddreg [dreg:$0x9]  }
0x38: {  	s9 =	rddreg [dreg:$0xb]  }
0x39: {  	[tilespmem:s6], [sflag:$0x1] =	stream.linear.gather [hbm4b:s3+s6], $0xC80, $0x38;
	[tilespmem:$0x1F400] =	vst v63  }
0x3a: {  	s7 =	simm.s32 $0x3E80;
	s12 =	rddreg [dreg:$0xc]  }
0x3b: {  	[tilespmem:s7], [sflag:$0x1] =	stream.linear.gather [hbm4b:s31+s6], $0xC80, $0x38;
	[tilespmem:$0x1F400] =	vst v63  }
0x3c: {  	s19 =	rddreg [dreg:$0xd]  }
0x3d: {  	[tilespmem:s0], [sflag:$0x2] =	stream.linear.gather [hbm4b:s8+s6], $0xC80, $0x38;
	[tilespmem:$0x1F400] =	vst v63  }
0x3e: {  	s11 =	simm.s32 $0x4B00;
	s7 =	rddreg [dreg:$0x12]  }
0x3f: {  	[tilespmem:s11], [sflag:$0x2] =	stream.linear.gather [hbm4b:s9+s6], $0xC80, $0x38;
	[tilespmem:$0x1F400] =	vst v63  }
0x40: {  	s16 =	simm.s32 $0x1900;
	s8 =	rddreg [dreg:$0xe]  }
0x41: {  	[tilespmem:s16], [sflag:$0x3] =	stream.linear.gather [hbm4b:s12+s6], $0xC80, $0x38;
	[tilespmem:$0x1F400] =	vst v63  }
0x42: {  	s31 =	simm.s32 $0x5780;
	s11 =	rddreg [dreg:$0x10]  }
0x43: {  	[tilespmem:s31], [sflag:$0x3] =	stream.linear.gather [hbm4b:s19+s6], $0xC80, $0x38;
	[tilespmem:$0x1F400] =	vst v63  }
0x44: {  	s9 =	simm.s32 $0x2580;
	s16 =	rddreg [dreg:$0x11]  }
0x45: {  	[tilespmem:s9], [sflag:$0x4] =	stream.linear.gather [hbm4b:s8+s6], $0xC80, $0x38;
	[tilespmem:$0x1F400] =	vst v63  }
0x46: {  	s12 =	simm.s32 $0x6400;
	s19 =	rddreg [dreg:$0x13]  }
0x47: {  	[tilespmem:s12], [sflag:$0x4] =	stream.linear.gather [hbm4b:s11+s6], $0xC80, $0x38;
	[tilespmem:$0x1F400] =	vst v63  }
0x48: {  	s8 =	rddreg [dreg:$0x14]  }
0x49: {  	[tilespmem:s10], [sflag:$0x5] =	stream.linear.gather [hbm4b:s16+s6], $0xC80, $0x38;
	[tilespmem:$0x1F400] =	vst v63  }
0x4a: {  	s31 =	simm.s32 $0x7080;
	s9 =	rddreg [dreg:$0x16];
	s11 =	simm.s32 $0x10  }
0x4b: {  	[tilespmem:s31], [sflag:$0x5] =	stream.linear.gather [hbm4b:s19+s6], $0xC80, $0x38;
	[tilespmem:$0x1F400] =	vst v63  }
0x4c: {  	[spmem:s9], [sflag:s8] =	dma.local [hbm:s7], $0x2710  }
0x4d: {  	_ =	swait.ge [sflag:s11], $0x2710  }
0x4e: {  	[sflag:s11] =	ssyncset.done $0x0  }
0x4f: {  	[sflag:s11] =	ssyncadd.s32 $0xFFFFD8F0  }
0x50: {  	s12 =	simm.s32 $0x1;
	[bflag:$0x0] =	sbarrier.arrive $0xFFFF  }
0x51: {  	_ =	swait.ge [sflag:s12], $0xC80  }
0x52: {  	[sflag:s12] =	ssyncset.done $0x0  }
0x53: {  	[sflag:s12] =	ssyncadd.s32 $0xFFFFF380  }
0x54: {  	_ =	swait.ge [sflag:s12], $0xC80  }
0x55: {  	[sflag:s12] =	ssyncset.done $0x0  }
0x56: {  	s16 =	simm.s32 $0x7D00;
	s19 =	simm.s32 $0x2;
	[sflag:s12] =	ssyncadd.s32 $0xFFFFF380  }
0x57: {  	[tilespmem:s16], [sflag:$0x6] =	stream.indirect.gather [spmem:s5], $0x1, s6, s0, $0xb8;
	[tilespmem:$0x1F400] =	vst v63  }
0x58: {  	_ =	swait.ge [sflag:s19], $0xC80  }
0x59: {  	[sflag:s19] =	ssyncset.done $0x0  }
0x5a: {  	[sflag:s19] =	ssyncadd.s32 $0xFFFFF380  }
0x5b: {  	_ =	swait.ge [sflag:s19], $0xC80  }
0x5c: {  	[sflag:s19] =	ssyncset.done $0x0  }
0x5d: {  	s31 =	simm.s32 $0x8980;
	s11 =	simm.s32 $0x0;
	[sflag:s19] =	ssyncadd.s32 $0xFFFFF380  }
0x5e: {  	[tilespmem:s31], [sflag:$0x7] =	stream.indirect.gather [spmem:s5], $0x1, s0, s0, $0xb8;
	[tilespmem:$0x1F400] =	vst v63  }
.LBB2_2:
0x5f: {  	_ =	swait.ge [sflag:s20], $0xC80  }
0x60: {  	[sflag:s20] =	ssyncset.done $0x0  }
0x61: {  	[sflag:s20] =	ssyncadd.s32 $0xFFFFF380  }
0x62: {  	_ =	swait.ge [sflag:s21], $0xC80  }
0x63: {  	[sflag:s21] =	ssyncset.done $0x0  }
0x64: {  	[sflag:s21] =	ssyncadd.s32 $0xFFFFF380  }
0x65: {  	_ =	swait.ge [sflag:s21], $0xC80  }
0x66: {  	p1 =	seq.s32 s11, $0x0;
	[sflag:s21] =	ssyncset.done $0x0  }
0x67: {  	s3 =	simm.s32 @!p1 $0xD;
	[sflag:s21] =	ssyncadd.s32 $0xFFFFF380  }
0x68: {  	_ =	swait.ge @!p1 [sflag:s3], $0xC80  }
0x69: {  	[sflag:s3] =	ssyncset.done @!p1 $0x0  }
0x6a: {  	s31 =	simm.s32 $0x1900;
	s9 =	simm.s32 $0x7D40;
	[sflag:s3] =	ssyncadd.s32 @!p1 $0xFFFFF380  }
0x6b: {  	[tilespmem:s22], [sflag:$0x8] =	stream.indirect.gather [spmem:s5], $0x1, s31, s0, $0xb8;
	[tilespmem:$0x1F400] =	vst v63  }
0x6c: {  	s8 =	simm.s32 $0x3EC0;
	v1 =	vld [tilespmem:s9+$0x30]  }
0x6d: {  	v2 =	vld [tilespmem:s8+$0x30]  }
0x6e: {  	v0 =	vld [tilespmem:s8+$0xFFFFFFC0]  }
0x6f: {  	v3 =	vld [tilespmem:s9+$0xFFFFFFD0]  }
0x70: {  	v4 =	vld [tilespmem:s8+$0xFFFFFFD0]  }
0x71: {  	v5 =	vld [tilespmem:s9+$0xFFFFFFE0]  }
0x72: {  	v6 =	vld [tilespmem:s8+$0xFFFFFFE0]  }
0x73: {  	v7 =	vld [tilespmem:s9+$0xFFFFFFF0]  }
0x74: {  	v8 =	vld [tilespmem:s8+$0xFFFFFFF0]  }
0x75: {  	v9 =	vld [tilespmem:s9+$0x0];
	v2 =	vmul.f32 v2, v1  }
0x76: {  	v10 =	vld [tilespmem:s8+$0x0];
	v4 =	vmul.f32 v4, v3  }
0x77: {  	v1 =	vld [tilespmem:s9+$0x10];
	v5 =	vmul.f32 v6, v5;
	[tilespmem:s9+$0x30] =	vst v2  }
0x78: {  	v3 =	vld [tilespmem:s8+$0x10];
	[tilespmem:s9+$0xFFFFFFD0] =	vst v4  }
0x79: {  	s3 =	smul.u32 $0x3E80, s11;
	v6 =	vmul.f32 v8, v7;
	v2 =	vld [tilespmem:s9+$0x20];
	[tilespmem:s9+$0xFFFFFFE0] =	vst v5  }
0x7a: {  	v4 =	vld [tilespmem:s8+$0x20];
	s7 =	rddreg [dreg:$0xa]  }
0x7b: {  	s12 =	simm.s32 $0x7DC0;
	v5 =	vld [tilespmem:s9+$0xFFFFFFC0];
	[tilespmem:s9+$0xFFFFFFF0] =	vst v6;
	v6 =	vmul.f32 v10, v9;
	s19 =	sadd.s32 s3, s7;
	s7 =	simm.s32 $0x0  }
.LBB2_3:
0x7c: {  	v7 =	vld [tilespmem:s12+$0x30];
	s8 =	sadd.s32 $0x80, s8  }
0x7d: {  	s7 =	sadd.s32 $0x80, s7;
	v8 =	vld [tilespmem:s8+$0x30];
	[tilespmem:s9+$0x0] =	vst v6;
	v1 =	vmul.f32 v3, v1  }
0x7e: {  	p0 =	slt.u32 s7, $0xC00;
	v3 =	vld [tilespmem:s8+$0xFFFFFFC0]  }
0x7f: {  	v6 =	vld [tilespmem:s12+$0xFFFFFFD0];
	[tilespmem:s9+$0x10] =	vst v1;
	v1 =	vmul.f32 v4, v2  }
0x80: {  	v2 =	vld [tilespmem:s8+$0xFFFFFFD0];
	v9 =	vmul.f32 v0, v5  }
0x81: {  	v4 =	vld [tilespmem:s12+$0xFFFFFFE0];
	[tilespmem:s9+$0x20] =	vst v1  }
0x82: {  	v1 =	vld [tilespmem:s8+$0xFFFFFFE0];
	v5 =	vmul.f32 v8, v7;
	[tilespmem:s9+$0xFFFFFFC0] =	vst v9;
	s9 =	smov.u32 s12  }
0x83: {  	v7 =	vld [tilespmem:s12+$0xFFFFFFF0];
	v0 =	vmov v3  }
0x84: {  	v8 =	vld [tilespmem:s8+$0xFFFFFFF0];
	[tilespmem:s12+$0x30] =	vst v5  }
0x85: {  	v2 =	vmul.f32 v2, v6;
	v6 =	vld [tilespmem:s12+$0x0]  }
0x86: {  	v9 =	vld [tilespmem:s8+$0x0]  }
.Ltmp2:
0x87: {  	[tilespmem:s12+$0xFFFFFFD0] =	vst v2;
	v2 =	vmul.f32 v1, v4;
	v1 =	vld [tilespmem:s12+$0x10];
	(pc) =	sbr.rel @p0 .LBB2_3-.Ltmp2, $4  }
0x88: {  	v3 =	vld [tilespmem:s8+$0x10]  }
0x89: {  	[tilespmem:s12+$0xFFFFFFE0] =	vst v2;
	v7 =	vmul.f32 v8, v7;
	v2 =	vld [tilespmem:s12+$0x20]  }
0x8a: {  	v4 =	vld [tilespmem:s8+$0x20]  }
0x8b: {  	s12 =	sadd.s32 $0x80, s12;
	v5 =	vld [tilespmem:s9+$0xFFFFFFC0];
	[tilespmem:s9+$0xFFFFFFF0] =	vst v7;
	v6 =	vmul.f32 v9, v6  }
0x8c: {  	_ =	sdelay $0x1  }
0x8d: {  	v1 =	vmul.f32 v3, v1  }
0x8e: {  	[tilespmem:s9+$0x0] =	vst v6;
	v2 =	vmul.f32 v4, v2  }
0x8f: {  	s7 =	sadd.s32 s14, s3;
	[tilespmem:s9+$0x10] =	vst v1;
	v0 =	vmul.f32 v0, v5  }
0x90: {  	s7 =	sshrl.u32 s7, $0x3;
	[tilespmem:s9+$0x20] =	vst v2  }
0x91: {  	s8 =	simm.s32 $0x7D00;
	p0 =	seq.s32 s11, $0x18;
	s7 =	sadd.s32 s4, s7;
	[tilespmem:s9+$0xFFFFFFC0] =	vst v0  }
0x92: {  	[hbm4b:s7+s6] =	stream.linear.scatter [tilespmem:s8], [sflag:$0xB], $0xC80, $0x38;
	[tilespmem:$0x1F400] =	vst v63  }
0x93: {  	s7 =	sadd.s32 @!p0 s3, s26  }
0x94: {  	s7 =	sshrl.u32 @!p0 s7, $0x3  }
0x95: {  	s9 =	simm.s32 @!p0 $0x0;
	s8 =	sadd.s32 @!p0 s1, s7  }
0x96: {  	[tilespmem:s9], [sflag:$0x1] =	stream.linear.gather @!p0 [hbm4b:s8+s9], $0xC80, $0x38;
	[tilespmem:$0x1F400] =	vst v63  }
0x97: {  	s7 =	sadd.s32 @!p0 s2, s7;
	s8 =	simm.s32 @!p0 $0x3E80  }
0x98: {  	[tilespmem:s8], [sflag:$0x1] =	stream.linear.gather @!p0 [hbm4b:s7+s9], $0xC80, $0x38;
	[tilespmem:$0x1F400] =	vst v63  }
0x99: {  	_ =	swait.ge [sflag:s23], $0xC80  }
0x9a: {  	[sflag:s23] =	ssyncset.done $0x0  }
0x9b: {  	[sflag:s23] =	ssyncadd.s32 $0xFFFFF380  }
0x9c: {  	_ =	swait.ge [sflag:s24], $0xC80  }
0x9d: {  	[sflag:s24] =	ssyncset.done $0x0  }
0x9e: {  	[sflag:s24] =	ssyncadd.s32 $0xFFFFF380  }
0x9f: {  	_ =	swait.ge [sflag:s24], $0xC80  }
0xa0: {  	[sflag:s24] =	ssyncset.done $0x0  }
0xa1: {  	s7 =	simm.s32 @!p1 $0xE;
	[sflag:s24] =	ssyncadd.s32 $0xFFFFF380  }
0xa2: {  	_ =	swait.ge @!p1 [sflag:s7], $0xC80  }
0xa3: {  	[sflag:s7] =	ssyncset.done @!p1 $0x0  }
0xa4: {  	s16 =	simm.s32 $0x2580;
	s9 =	simm.s32 $0x89C0;
	[sflag:s7] =	ssyncadd.s32 @!p1 $0xFFFFF380  }
0xa5: {  	[tilespmem:s25], [sflag:$0x9] =	stream.indirect.gather [spmem:s5], $0x1, s16, s0, $0xb8;
	[tilespmem:$0x1F400] =	vst v63  }
0xa6: {  	s8 =	simm.s32 $0x4B40;
	v1 =	vld [tilespmem:s9+$0x30]  }
0xa7: {  	v2 =	vld [tilespmem:s8+$0x30]  }
0xa8: {  	v0 =	vld [tilespmem:s8+$0xFFFFFFC0]  }
0xa9: {  	v3 =	vld [tilespmem:s9+$0xFFFFFFD0]  }
0xaa: {  	v4 =	vld [tilespmem:s8+$0xFFFFFFD0]  }
0xab: {  	v5 =	vld [tilespmem:s9+$0xFFFFFFE0]  }
0xac: {  	v6 =	vld [tilespmem:s8+$0xFFFFFFE0]  }
0xad: {  	v7 =	vld [tilespmem:s9+$0xFFFFFFF0]  }
0xae: {  	v8 =	vld [tilespmem:s8+$0xFFFFFFF0]  }
0xaf: {  	v9 =	vld [tilespmem:s9+$0x0];
	v2 =	vmul.f32 v2, v1  }
0xb0: {  	v10 =	vld [tilespmem:s8+$0x0];
	v4 =	vmul.f32 v4, v3  }
0xb1: {  	v1 =	vld [tilespmem:s9+$0x10];
	v5 =	vmul.f32 v6, v5;
	[tilespmem:s9+$0x30] =	vst v2  }
0xb2: {  	v3 =	vld [tilespmem:s8+$0x10];
	[tilespmem:s9+$0xFFFFFFD0] =	vst v4  }
0xb3: {  	v6 =	vmul.f32 v8, v7;
	v2 =	vld [tilespmem:s9+$0x20];
	[tilespmem:s9+$0xFFFFFFE0] =	vst v5  }
0xb4: {  	v4 =	vld [tilespmem:s8+$0x20];
	s31 =	rddreg [dreg:$0xf]  }
0xb5: {  	s12 =	simm.s32 $0x8A40;
	s7 =	simm.s32 $0x0;
	v5 =	vld [tilespmem:s9+$0xFFFFFFC0];
	[tilespmem:s9+$0xFFFFFFF0] =	vst v6;
	v6 =	vmul.f32 v10, v9;
	s16 =	sadd.s32 s3, s31  }
.LBB2_5:
0xb6: {  	v7 =	vld [tilespmem:s12+$0x30];
	s8 =	sadd.s32 $0x80, s8  }
0xb7: {  	s7 =	sadd.s32 $0x80, s7;
	v8 =	vld [tilespmem:s8+$0x30];
	[tilespmem:s9+$0x0] =	vst v6;
	v1 =	vmul.f32 v3, v1  }
0xb8: {  	p2 =	slt.u32 s7, $0xC00;
	v3 =	vld [tilespmem:s8+$0xFFFFFFC0]  }
0xb9: {  	v6 =	vld [tilespmem:s12+$0xFFFFFFD0];
	[tilespmem:s9+$0x10] =	vst v1;
	v1 =	vmul.f32 v4, v2  }
0xba: {  	v2 =	vld [tilespmem:s8+$0xFFFFFFD0];
	v9 =	vmul.f32 v0, v5  }
0xbb: {  	v4 =	vld [tilespmem:s12+$0xFFFFFFE0];
	[tilespmem:s9+$0x20] =	vst v1  }
0xbc: {  	v1 =	vld [tilespmem:s8+$0xFFFFFFE0];
	v5 =	vmul.f32 v8, v7;
	[tilespmem:s9+$0xFFFFFFC0] =	vst v9;
	s9 =	smov.u32 s12  }
0xbd: {  	v7 =	vld [tilespmem:s12+$0xFFFFFFF0];
	v0 =	vmov v3  }
0xbe: {  	v8 =	vld [tilespmem:s8+$0xFFFFFFF0];
	[tilespmem:s12+$0x30] =	vst v5  }
0xbf: {  	v2 =	vmul.f32 v2, v6;
	v6 =	vld [tilespmem:s12+$0x0]  }
0xc0: {  	v9 =	vld [tilespmem:s8+$0x0]  }
.Ltmp3:
0xc1: {  	[tilespmem:s12+$0xFFFFFFD0] =	vst v2;
	v2 =	vmul.f32 v1, v4;
	v1 =	vld [tilespmem:s12+$0x10];
	(pc) =	sbr.rel @p2 .LBB2_5-.Ltmp3, $4  }
0xc2: {  	v3 =	vld [tilespmem:s8+$0x10]  }
0xc3: {  	[tilespmem:s12+$0xFFFFFFE0] =	vst v2;
	v7 =	vmul.f32 v8, v7;
	v2 =	vld [tilespmem:s12+$0x20]  }
0xc4: {  	v4 =	vld [tilespmem:s8+$0x20]  }
0xc5: {  	s12 =	sadd.s32 $0x80, s12;
	v5 =	vld [tilespmem:s9+$0xFFFFFFC0];
	[tilespmem:s9+$0xFFFFFFF0] =	vst v7;
	v6 =	vmul.f32 v9, v6  }
0xc6: {  	_ = 	snop  }
0xc7: {  	v1 =	vmul.f32 v3, v1  }
0xc8: {  	[tilespmem:s9+$0x0] =	vst v6  }
0xc9: {  	[tilespmem:s9+$0x10] =	vst v1  }
0xca: {  	v2 =	vmul.f32 v4, v2;
	s7 =	rddreg [dreg:$0x6]  }
0xcb: {  	v0 =	vmul.f32 v0, v5;
	s7 =	sadd.s32 s3, s7  }
0xcc: {  	[tilespmem:s9+$0x20] =	vst v2;
	s7 =	sshrl.u32 s7, $0x3  }
0xcd: {  	s8 =	simm.s32 $0x8980;
	[tilespmem:s9+$0xFFFFFFC0] =	vst v0;
	s7 =	sadd.s32 s4, s7  }
0xce: {  	[hbm4b:s7+s6] =	stream.linear.scatter [tilespmem:s8], [sflag:$0xC], $0xC80, $0x38;
	[tilespmem:$0x1F400] =	vst v63  }
0xcf: {  	s7 =	sadd.s32 @!p0 s3, s28  }
0xd0: {  	s7 =	sshrl.u32 @!p0 s7, $0x3  }
0xd1: {  	s12 =	simm.s32 @!p0 $0xC80;
	s9 =	simm.s32 @!p0 $0x0;
	s8 =	sadd.s32 @!p0 s1, s7  }
0xd2: {  	[tilespmem:s12], [sflag:$0x2] =	stream.linear.gather @!p0 [hbm4b:s8+s9], $0xC80, $0x38;
	[tilespmem:$0x1F400] =	vst v63  }
0xd3: {  	s7 =	sadd.s32 @!p0 s2, s7;
	s8 =	simm.s32 @!p0 $0x4B00  }
0xd4: {  	[tilespmem:s8], [sflag:$0x2] =	stream.linear.gather @!p0 [hbm4b:s7+s9], $0xC80, $0x38;
	[tilespmem:$0x1F400] =	vst v63  }
0xd5: {  	_ =	swait.ge [sflag:s13], $0xC80  }
0xd6: {  	[sflag:s13] =	ssyncset.done $0x0  }
0xd7: {  	[sflag:s13] =	ssyncadd.s32 $0xFFFFF380  }
0xd8: {  	_ =	swait.ge [sflag:s15], $0xC80  }
0xd9: {  	[sflag:s15] =	ssyncset.done $0x0  }
0xda: {  	[sflag:s15] =	ssyncadd.s32 $0xFFFFF380  }
0xdb: {  	_ =	swait.ge [sflag:s15], $0xC80  }
0xdc: {  	[sflag:s15] =	ssyncset.done $0x0  }
0xdd: {  	s7 =	simm.s32 @!p1 $0xF;
	[sflag:s15] =	ssyncadd.s32 $0xFFFFF380  }
0xde: {  	_ =	swait.ge @!p1 [sflag:s7], $0xC80  }
0xdf: {  	[sflag:s7] =	ssyncset.done @!p1 $0x0  }
0xe0: {  	s8 =	simm.s32 $0x9640;
	[sflag:s7] =	ssyncadd.s32 @!p1 $0xFFFFF380  }
0xe1: {  	[tilespmem:s17], [sflag:$0xA] =	stream.indirect.gather [spmem:s5], $0x1, s10, s0, $0xb8;
	[tilespmem:$0x1F400] =	vst v63  }
0xe2: {  	s7 =	simm.s32 $0x57C0;
	v1 =	vld [tilespmem:s8+$0x30]  }
0xe3: {  	v2 =	vld [tilespmem:s7+$0x30]  }
0xe4: {  	v0 =	vld [tilespmem:s7+$0xFFFFFFC0]  }
0xe5: {  	v3 =	vld [tilespmem:s8+$0xFFFFFFD0]  }
0xe6: {  	v4 =	vld [tilespmem:s7+$0xFFFFFFD0]  }
0xe7: {  	v5 =	vld [tilespmem:s8+$0xFFFFFFE0]  }
0xe8: {  	v6 =	vld [tilespmem:s7+$0xFFFFFFE0]  }
0xe9: {  	v7 =	vld [tilespmem:s8+$0xFFFFFFF0]  }
0xea: {  	v8 =	vld [tilespmem:s7+$0xFFFFFFF0]  }
0xeb: {  	v9 =	vld [tilespmem:s8+$0x0]  }
0xec: {  	v10 =	vld [tilespmem:s7+$0x0];
	v2 =	vmul.f32 v2, v1  }
0xed: {  	v4 =	vmul.f32 v4, v3;
	v1 =	vld [tilespmem:s8+$0x10]  }
0xee: {  	v5 =	vmul.f32 v6, v5;
	v3 =	vld [tilespmem:s7+$0x10];
	[tilespmem:s8+$0x30] =	vst v2  }
0xef: {  	v6 =	vmul.f32 v8, v7;
	[tilespmem:s8+$0xFFFFFFD0] =	vst v4;
	v2 =	vld [tilespmem:s8+$0x20]  }
0xf0: {  	[tilespmem:s8+$0xFFFFFFE0] =	vst v5;
	v4 =	vld [tilespmem:s7+$0x20]  }
0xf1: {  	s31 =	simm.s32 $0x96C0;
	s12 =	simm.s32 $0x0;
	s9 =	sadd.s32 s3, s18;
	v5 =	vld [tilespmem:s8+$0xFFFFFFC0];
	[tilespmem:s8+$0xFFFFFFF0] =	vst v6;
	v6 =	vmul.f32 v10, v9  }
.LBB2_7:
0xf2: {  	v7 =	vld [tilespmem:s31+$0x30];
	s7 =	sadd.s32 $0x80, s7  }
0xf3: {  	s12 =	sadd.s32 $0x80, s12;
	v8 =	vld [tilespmem:s7+$0x30];
	[tilespmem:s8+$0x0] =	vst v6;
	v1 =	vmul.f32 v3, v1  }
0xf4: {  	p1 =	slt.u32 s12, $0xC00;
	v3 =	vld [tilespmem:s7+$0xFFFFFFC0]  }
0xf5: {  	v6 =	vld [tilespmem:s31+$0xFFFFFFD0];
	[tilespmem:s8+$0x10] =	vst v1;
	v1 =	vmul.f32 v4, v2  }
0xf6: {  	v2 =	vld [tilespmem:s7+$0xFFFFFFD0];
	v9 =	vmul.f32 v0, v5  }
0xf7: {  	v4 =	vld [tilespmem:s31+$0xFFFFFFE0];
	[tilespmem:s8+$0x20] =	vst v1  }
0xf8: {  	v1 =	vld [tilespmem:s7+$0xFFFFFFE0];
	v5 =	vmul.f32 v8, v7;
	[tilespmem:s8+$0xFFFFFFC0] =	vst v9;
	s8 =	smov.u32 s31  }
0xf9: {  	v7 =	vld [tilespmem:s31+$0xFFFFFFF0];
	v0 =	vmov v3  }
0xfa: {  	v8 =	vld [tilespmem:s7+$0xFFFFFFF0];
	[tilespmem:s31+$0x30] =	vst v5  }
0xfb: {  	v2 =	vmul.f32 v2, v6;
	v6 =	vld [tilespmem:s31+$0x0]  }
0xfc: {  	v9 =	vld [tilespmem:s7+$0x0]  }
.Ltmp4:
0xfd: {  	[tilespmem:s31+$0xFFFFFFD0] =	vst v2;
	v2 =	vmul.f32 v1, v4;
	v1 =	vld [tilespmem:s31+$0x10];
	(pc) =	sbr.rel @p1 .LBB2_7-.Ltmp4, $4  }
0xfe: {  	v3 =	vld [tilespmem:s7+$0x10]  }
0xff: {  	[tilespmem:s31+$0xFFFFFFE0] =	vst v2;
	v7 =	vmul.f32 v8, v7;
	v2 =	vld [tilespmem:s31+$0x20]  }
0x100: {  	v4 =	vld [tilespmem:s7+$0x20]  }
0x101: {  	s31 =	sadd.s32 $0x80, s31;
	v5 =	vld [tilespmem:s8+$0xFFFFFFC0];
	[tilespmem:s8+$0xFFFFFFF0] =	vst v7;
	v6 =	vmul.f32 v9, v6  }
0x102: {  	_ =	sdelay $0x1  }
0x103: {  	v1 =	vmul.f32 v3, v1  }
0x104: {  	[tilespmem:s8+$0x0] =	vst v6;
	v2 =	vmul.f32 v4, v2  }
0x105: {  	[tilespmem:s8+$0x10] =	vst v1;
	v0 =	vmul.f32 v0, v5  }
0x106: {  	s7 =	sshrl.u32 s19, $0x3;
	[tilespmem:s8+$0x20] =	vst v2  }
0x107: {  	s7 =	sadd.s32 s4, s7;
	[tilespmem:s8+$0xFFFFFFC0] =	vst v0  }
0x108: {  	[hbm4b:s7+s6] =	stream.linear.scatter [tilespmem:s22], [sflag:$0xD], $0xC80, $0x38;
	[tilespmem:$0x1F400] =	vst v63  }
0x109: {  	s7 =	simm.s32 @p0 $0x9  }
0x10a: {  	_ =	swait.ge @p0 [sflag:s7], $0xC80  }
0x10b: {  	s8 =	sadd.s32 @!p0 s3, s29;
	[sflag:s7] =	ssyncset.done @p0 $0x0  }
0x10c: {  	[sflag:s7] =	ssyncadd.s32 @p0 $0xFFFFF380;
	s7 =	sshrl.u32 @!p0 s8, $0x3  }
0x10d: {  	s12 =	simm.s32 @!p0 $0x0;
	s19 =	simm.s32 @!p0 $0x1900;
	s8 =	sadd.s32 @!p0 s1, s7  }
0x10e: {  	[tilespmem:s19], [sflag:$0x3] =	stream.linear.gather @!p0 [hbm4b:s8+s12], $0xC80, $0x38;
	[tilespmem:$0x1F400] =	vst v63  }
0x10f: {  	s7 =	sadd.s32 @!p0 s2, s7;
	s8 =	simm.s32 @!p0 $0x5780  }
0x110: {  	[tilespmem:s8], [sflag:$0x3] =	stream.linear.gather @!p0 [hbm4b:s7+s12], $0xC80, $0x38;
	[tilespmem:$0x1F400] =	vst v63  }
0x111: {  	s7 =	simm.s32 @!p0 $0x9  }
0x112: {  	_ =	swait.ge @!p0 [sflag:s7], $0xC80  }
0x113: {  	[sflag:s7] =	ssyncset.done @!p0 $0x0  }
0x114: {  	[sflag:s7] =	ssyncadd.s32 @!p0 $0xFFFFF380;
	s7 =	simm.s32 @!p0 $0x1  }
0x115: {  	_ =	swait.ge @!p0 [sflag:s7], $0xC80  }
0x116: {  	[sflag:s7] =	ssyncset.done @!p0 $0x0  }
0x117: {  	[sflag:s7] =	ssyncadd.s32 @!p0 $0xFFFFF380  }
0x118: {  	_ =	swait.ge @!p0 [sflag:s7], $0xC80  }
0x119: {  	[sflag:s7] =	ssyncset.done @!p0 $0x0  }
0x11a: {  	[sflag:s7] =	ssyncadd.s32 @!p0 $0xFFFFF380;
	s7 =	simm.s32 @!p0 $0xB  }
0x11b: {  	_ =	swait.ge @!p0 [sflag:s7], $0xC80  }
0x11c: {  	[sflag:s7] =	ssyncset.done @!p0 $0x0  }
0x11d: {  	s8 =	simm.s32 @!p0 $0x7D00;
	[sflag:s7] =	ssyncadd.s32 @!p0 $0xFFFFF380;
	s7 =	simm.s32 @!p0 $0xC80  }
0x11e: {  	[tilespmem:s8], [sflag:$0x6] =	stream.indirect.gather @!p0 [spmem:s5], $0x1, s12, s7, $0xb8;
	[tilespmem:$0x1F400] =	vst v63  }
0x11f: {  	s8 =	simm.s32 $0xA2C0  }
0x120: {  	s7 =	simm.s32 $0x6440;
	v1 =	vld [tilespmem:s8+$0x30]  }
0x121: {  	v2 =	vld [tilespmem:s7+$0x30]  }
0x122: {  	v0 =	vld [tilespmem:s7+$0xFFFFFFC0]  }
0x123: {  	v3 =	vld [tilespmem:s8+$0xFFFFFFD0]  }
0x124: {  	v4 =	vld [tilespmem:s7+$0xFFFFFFD0]  }
0x125: {  	v5 =	vld [tilespmem:s8+$0xFFFFFFE0]  }
0x126: {  	v6 =	vld [tilespmem:s7+$0xFFFFFFE0]  }
0x127: {  	v7 =	vld [tilespmem:s8+$0xFFFFFFF0]  }
0x128: {  	v8 =	vld [tilespmem:s7+$0xFFFFFFF0]  }
0x129: {  	v9 =	vld [tilespmem:s8+$0x0]  }
0x12a: {  	v10 =	vld [tilespmem:s7+$0x0];
	v2 =	vmul.f32 v2, v1  }
0x12b: {  	v4 =	vmul.f32 v4, v3;
	v1 =	vld [tilespmem:s8+$0x10]  }
0x12c: {  	v5 =	vmul.f32 v6, v5;
	v3 =	vld [tilespmem:s7+$0x10];
	[tilespmem:s8+$0x30] =	vst v2  }
0x12d: {  	v6 =	vmul.f32 v8, v7;
	[tilespmem:s8+$0xFFFFFFD0] =	vst v4;
	v2 =	vld [tilespmem:s8+$0x20]  }
0x12e: {  	[tilespmem:s8+$0xFFFFFFE0] =	vst v5;
	v5 =	vld [tilespmem:s7+$0x20]  }
0x12f: {  	s19 =	simm.s32 $0xA340;
	s12 =	simm.s32 $0x0;
	v4 =	vld [tilespmem:s8+$0xFFFFFFC0];
	[tilespmem:s8+$0xFFFFFFF0] =	vst v6;
	v6 =	vmul.f32 v10, v9  }
.LBB2_9:
0x130: {  	v7 =	vld [tilespmem:s19+$0x30];
	s7 =	sadd.s32 $0x80, s7  }
0x131: {  	s12 =	sadd.s32 $0x80, s12;
	v8 =	vld [tilespmem:s7+$0x30];
	[tilespmem:s8+$0x0] =	vst v6;
	v1 =	vmul.f32 v3, v1  }
0x132: {  	p1 =	slt.u32 s12, $0xC00;
	v3 =	vld [tilespmem:s7+$0xFFFFFFC0]  }
0x133: {  	v6 =	vld [tilespmem:s19+$0xFFFFFFD0];
	[tilespmem:s8+$0x10] =	vst v1;
	v1 =	vmul.f32 v5, v2  }
0x134: {  	v2 =	vld [tilespmem:s7+$0xFFFFFFD0];
	v9 =	vmul.f32 v0, v4  }
0x135: {  	v4 =	vld [tilespmem:s19+$0xFFFFFFE0];
	[tilespmem:s8+$0x20] =	vst v1  }
0x136: {  	v1 =	vld [tilespmem:s7+$0xFFFFFFE0];
	v5 =	vmul.f32 v8, v7;
	[tilespmem:s8+$0xFFFFFFC0] =	vst v9;
	s8 =	smov.u32 s19  }
0x137: {  	v7 =	vld [tilespmem:s19+$0xFFFFFFF0];
	v0 =	vmov v3  }
0x138: {  	v8 =	vld [tilespmem:s7+$0xFFFFFFF0];
	[tilespmem:s19+$0x30] =	vst v5  }
0x139: {  	v2 =	vmul.f32 v2, v6;
	v6 =	vld [tilespmem:s19+$0x0]  }
0x13a: {  	v9 =	vld [tilespmem:s7+$0x0]  }
.Ltmp5:
0x13b: {  	[tilespmem:s19+$0xFFFFFFD0] =	vst v2;
	v2 =	vmul.f32 v1, v4;
	v1 =	vld [tilespmem:s19+$0x10];
	(pc) =	sbr.rel @p1 .LBB2_9-.Ltmp5, $4  }
0x13c: {  	v3 =	vld [tilespmem:s7+$0x10]  }
0x13d: {  	[tilespmem:s19+$0xFFFFFFE0] =	vst v2;
	v7 =	vmul.f32 v8, v7;
	v2 =	vld [tilespmem:s19+$0x20]  }
0x13e: {  	v5 =	vld [tilespmem:s7+$0x20]  }
0x13f: {  	s19 =	sadd.s32 $0x80, s19;
	v4 =	vld [tilespmem:s8+$0xFFFFFFC0];
	[tilespmem:s8+$0xFFFFFFF0] =	vst v7;
	v6 =	vmul.f32 v9, v6  }
0x140: {  	_ =	sdelay $0x1  }
0x141: {  	v1 =	vmul.f32 v3, v1  }
0x142: {  	[tilespmem:s8+$0x0] =	vst v6;
	v2 =	vmul.f32 v5, v2  }
0x143: {  	[tilespmem:s8+$0x10] =	vst v1;
	v0 =	vmul.f32 v0, v4  }
0x144: {  	s7 =	sshrl.u32 s16, $0x3;
	[tilespmem:s8+$0x20] =	vst v2  }
0x145: {  	s7 =	sadd.s32 s4, s7;
	[tilespmem:s8+$0xFFFFFFC0] =	vst v0  }
0x146: {  	[hbm4b:s7+s6] =	stream.linear.scatter [tilespmem:s25], [sflag:$0xE], $0xC80, $0x38;
	[tilespmem:$0x1F400] =	vst v63  }
0x147: {  	s7 =	simm.s32 @p0 $0xA  }
0x148: {  	_ =	swait.ge @p0 [sflag:s7], $0xC80  }
0x149: {  	s8 =	sadd.s32 @!p0 s3, s30;
	[sflag:s7] =	ssyncset.done @p0 $0x0  }
0x14a: {  	[sflag:s7] =	ssyncadd.s32 @p0 $0xFFFFF380;
	s7 =	sshrl.u32 @!p0 s8, $0x3  }
0x14b: {  	s12 =	simm.s32 @!p0 $0x0;
	s16 =	simm.s32 @!p0 $0x2580;
	s8 =	sadd.s32 @!p0 s1, s7  }
0x14c: {  	[tilespmem:s16], [sflag:$0x4] =	stream.linear.gather @!p0 [hbm4b:s8+s12], $0xC80, $0x38;
	[tilespmem:$0x1F400] =	vst v63  }
0x14d: {  	s7 =	sadd.s32 @!p0 s2, s7;
	s8 =	simm.s32 @!p0 $0x6400  }
0x14e: {  	[tilespmem:s8], [sflag:$0x4] =	stream.linear.gather @!p0 [hbm4b:s7+s12], $0xC80, $0x38;
	[tilespmem:$0x1F400] =	vst v63  }
0x14f: {  	s7 =	simm.s32 @!p0 $0xA  }
0x150: {  	_ =	swait.ge @!p0 [sflag:s7], $0xC80  }
0x151: {  	[sflag:s7] =	ssyncset.done @!p0 $0x0  }
0x152: {  	[sflag:s7] =	ssyncadd.s32 @!p0 $0xFFFFF380;
	s7 =	simm.s32 @!p0 $0x2  }
0x153: {  	_ =	swait.ge @!p0 [sflag:s7], $0xC80  }
0x154: {  	[sflag:s7] =	ssyncset.done @!p0 $0x0  }
0x155: {  	[sflag:s7] =	ssyncadd.s32 @!p0 $0xFFFFF380  }
0x156: {  	_ =	swait.ge @!p0 [sflag:s7], $0xC80  }
0x157: {  	[sflag:s7] =	ssyncset.done @!p0 $0x0  }
0x158: {  	[sflag:s7] =	ssyncadd.s32 @!p0 $0xFFFFF380;
	s7 =	simm.s32 @!p0 $0xC  }
0x159: {  	_ =	swait.ge @!p0 [sflag:s7], $0xC80  }
0x15a: {  	[sflag:s7] =	ssyncset.done @!p0 $0x0  }
0x15b: {  	s8 =	simm.s32 @!p0 $0x8980;
	[sflag:s7] =	ssyncadd.s32 @!p0 $0xFFFFF380;
	s7 =	simm.s32 @!p0 $0xC80  }
0x15c: {  	[tilespmem:s8], [sflag:$0x7] =	stream.indirect.gather @!p0 [spmem:s5], $0x1, s7, s7, $0xb8;
	[tilespmem:$0x1F400] =	vst v63  }
0x15d: {  	s8 =	simm.s32 $0xAF40  }
0x15e: {  	s7 =	simm.s32 $0x70C0;
	v1 =	vld [tilespmem:s8+$0x30]  }
0x15f: {  	v2 =	vld [tilespmem:s7+$0x30]  }
0x160: {  	v0 =	vld [tilespmem:s7+$0xFFFFFFC0]  }
0x161: {  	v3 =	vld [tilespmem:s8+$0xFFFFFFD0]  }
0x162: {  	v4 =	vld [tilespmem:s7+$0xFFFFFFD0]  }
0x163: {  	v5 =	vld [tilespmem:s8+$0xFFFFFFE0]  }
0x164: {  	v6 =	vld [tilespmem:s7+$0xFFFFFFE0]  }
0x165: {  	v7 =	vld [tilespmem:s8+$0xFFFFFFF0]  }
0x166: {  	v8 =	vld [tilespmem:s7+$0xFFFFFFF0]  }
0x167: {  	v9 =	vld [tilespmem:s8+$0x0]  }
0x168: {  	v10 =	vld [tilespmem:s7+$0x0];
	v2 =	vmul.f32 v2, v1  }
0x169: {  	v4 =	vmul.f32 v4, v3;
	v1 =	vld [tilespmem:s8+$0x10]  }
0x16a: {  	v5 =	vmul.f32 v6, v5;
	v3 =	vld [tilespmem:s7+$0x10];
	[tilespmem:s8+$0x30] =	vst v2  }
0x16b: {  	v6 =	vmul.f32 v8, v7;
	[tilespmem:s8+$0xFFFFFFD0] =	vst v4;
	v2 =	vld [tilespmem:s8+$0x20]  }
0x16c: {  	[tilespmem:s8+$0xFFFFFFE0] =	vst v5;
	v5 =	vld [tilespmem:s7+$0x20]  }
0x16d: {  	s16 =	simm.s32 $0xAFC0;
	s12 =	simm.s32 $0x0;
	v4 =	vld [tilespmem:s8+$0xFFFFFFC0];
	[tilespmem:s8+$0xFFFFFFF0] =	vst v6;
	v6 =	vmul.f32 v10, v9  }
.LBB2_11:
0x16e: {  	v7 =	vld [tilespmem:s16+$0x30];
	s7 =	sadd.s32 $0x80, s7  }
0x16f: {  	s12 =	sadd.s32 $0x80, s12;
	v8 =	vld [tilespmem:s7+$0x30];
	[tilespmem:s8+$0x0] =	vst v6;
	v1 =	vmul.f32 v3, v1  }
0x170: {  	p1 =	slt.u32 s12, $0xC00;
	v3 =	vld [tilespmem:s7+$0xFFFFFFC0]  }
0x171: {  	v6 =	vld [tilespmem:s16+$0xFFFFFFD0];
	[tilespmem:s8+$0x10] =	vst v1;
	v1 =	vmul.f32 v5, v2  }
0x172: {  	v2 =	vld [tilespmem:s7+$0xFFFFFFD0];
	v9 =	vmul.f32 v0, v4  }
0x173: {  	v4 =	vld [tilespmem:s16+$0xFFFFFFE0];
	[tilespmem:s8+$0x20] =	vst v1  }
0x174: {  	v1 =	vld [tilespmem:s7+$0xFFFFFFE0];
	v5 =	vmul.f32 v8, v7;
	[tilespmem:s8+$0xFFFFFFC0] =	vst v9;
	s8 =	smov.u32 s16  }
0x175: {  	v7 =	vld [tilespmem:s16+$0xFFFFFFF0];
	v0 =	vmov v3  }
0x176: {  	v8 =	vld [tilespmem:s7+$0xFFFFFFF0];
	[tilespmem:s16+$0x30] =	vst v5  }
0x177: {  	v2 =	vmul.f32 v2, v6;
	v6 =	vld [tilespmem:s16+$0x0]  }
0x178: {  	v9 =	vld [tilespmem:s7+$0x0]  }
.Ltmp6:
0x179: {  	[tilespmem:s16+$0xFFFFFFD0] =	vst v2;
	v2 =	vmul.f32 v1, v4;
	v1 =	vld [tilespmem:s16+$0x10];
	(pc) =	sbr.rel @p1 .LBB2_11-.Ltmp6, $4  }
0x17a: {  	v3 =	vld [tilespmem:s7+$0x10]  }
0x17b: {  	[tilespmem:s16+$0xFFFFFFE0] =	vst v2;
	v7 =	vmul.f32 v8, v7;
	v2 =	vld [tilespmem:s16+$0x20]  }
0x17c: {  	v5 =	vld [tilespmem:s7+$0x20]  }
0x17d: {  	s16 =	sadd.s32 $0x80, s16;
	v4 =	vld [tilespmem:s8+$0xFFFFFFC0];
	[tilespmem:s8+$0xFFFFFFF0] =	vst v7;
	v6 =	vmul.f32 v9, v6  }
0x17e: {  	_ =	sdelay $0x1  }
0x17f: {  	v1 =	vmul.f32 v3, v1  }
.Ltmp7:
0x180: {  	[tilespmem:s8+$0x0] =	vst v6;
	v2 =	vmul.f32 v5, v2;
	(pc) =	sbr.rel @p0 .LBB2_14-.Ltmp7, $4  }
0x181: {  	[tilespmem:s8+$0x10] =	vst v1;
	v0 =	vmul.f32 v0, v4  }
0x182: {  	s7 =	sshrl.u32 s9, $0x3;
	[tilespmem:s8+$0x20] =	vst v2  }
0x183: {  	s7 =	sadd.s32 s4, s7;
	[tilespmem:s8+$0xFFFFFFC0] =	vst v0  }
0x184: {  	[hbm4b:s7+s6] =	stream.linear.scatter [tilespmem:s17], [sflag:$0xF], $0xC80, $0x38;
	[tilespmem:$0x1F400] =	vst v63  }
0x185: {  	s7 =	rddreg [dreg:$0x17]  }
0x186: {  	s3 =	sadd.s32 s3, s7  }
.Ltmp8:
0x187: {  	s3 =	sshrl.u32 s3, $0x3;
	(pc) =	sbr.rel .LBB2_2-.Ltmp8, $4  }
0x188: {  	s19 =	sadd.s32 s1, s3  }
0x189: {  	[tilespmem:s10], [sflag:$0x5] =	stream.linear.gather [hbm4b:s19+s6], $0xC80, $0x38;
	[tilespmem:$0x1F400] =	vst v63  }
0x18a: {  	s31 =	simm.s32 $0x7080;
	s11 =	sadd.s32 $0x1, s11;
	s3 =	sadd.s32 s2, s3  }
0x18b: {  	[tilespmem:s31], [sflag:$0x5] =	stream.linear.gather [hbm4b:s3+s6], $0xC80, $0x38;
	[tilespmem:$0x1F400] =	vst v63  }
.LBB2_15:
0x18c: {  	_ =	sfence.sel $0x180000  }
0x18d: {  	[bflag:$0x0] =	sbarrier.arrive $0xFFFF  }
0x18e: {  	_ =	strace $0x90000047  }
0x18f: {  	s0 =	stileid.u32;
	[bflag:$0x2] =	sbarrier.arrive $0xFFFF  }
0x190: {  	p0 =	sne.s32 s0, $0x0;
	s0 =	rddreg [dreg:$0x5]  }
0x191: {  	s0 =	sadd.s32 @!p0 $0x100000, s0  }
0x192: {  	[sflag:s0] =	ssyncadd.tile.s32 @!p0 $0x1;
	_ =	shalt  }
.Lfunc_end2:
_tile_overlayer_lowered:
.L_overlay_start_2:
0x193: {  	(tag) =	ssettag $0x2  }
0x194: {  	s0 =	rddreg [dreg:$0x0];
	s2 =	stileid.u32  }
0x195: {  	s1 =	rddreg [dreg:$0x1];
	p0 =	sne.s32 s2, $0x0  }
0x196: {  	s3 =	rddreg [dreg:$0x2];
	[bflag:$0x3] =	sbarrier.arrive $0xFFFF;
	s2 =	simm.s32 @!p0 $0x1C10  }
0x197: {  	[timem:s3], [sflag:s2] =	dma.local @!p0 [hbm:s0], s1  }
0x198: {  	s0 =	simm.s32 @!p0 $0x10  }
0x199: {  	_ =	swait.ge @!p0 [sflag:s0], s1  }
0x19a: {  	s1 =	ssub.s32 @!p0 $0x0, s1;
	[sflag:s0] =	ssyncset.done @!p0 $0x0  }
0x19b: {  	[sflag:s0] =	ssyncadd.s32 @!p0 s1  }
0x19c: {  	[bflag:$0x3] =	sbarrier.arrive $0xFFFF  }
0x19d: {  	_ =	shalt  }

</sc_bundles>
